<compile_context>
chip_gen: v7x
topology: tpu7x:2x2x1
jax: 0.10.2.dev20260603
libtpu: 0.0.44.dev20260713+nightly
codegen_flags: <defaults>
</compile_context>

<pallas_src>
import functools

import jax
import jax.numpy as jnp
from jax import lax
from jax.experimental import pallas as pl
from jax.experimental.pallas import tpu as pltpu
from jax.experimental.pallas import tpu_sc as plsc

_N_USERS = 1000000
_N_ITEMS = 100000
_N_OCC = 1000
_EMBED_DIM = 32
_B = 1024
_LANE = 128

_OFF_O = _N_USERS + _N_ITEMS
_OFF_T = _N_USERS + _N_ITEMS + _N_OCC
_OFF_I = _N_USERS


def _load_my_indices(u_hbm, o_hbm, t_hbm, i_hbm, idx_v, wid, per_w, nl):
  src = wid // 8
  start = (wid % 8) * per_w

  @pl.when(src == 0)
  def _():
    pltpu.sync_copy(u_hbm.at[pl.ds(start, per_w)], idx_v)

  @pl.when(src == 1)
  def _():
    pltpu.sync_copy(o_hbm.at[pl.ds(start, per_w)], idx_v)

  @pl.when(src == 2)
  def _():
    pltpu.sync_copy(t_hbm.at[pl.ds(start, per_w)], idx_v)

  @pl.when(src == 3)
  def _():
    pltpu.sync_copy(i_hbm.at[pl.ds(start, per_w)], idx_v)

  off = (jnp.where(src == 1, _OFF_O, 0)
         + jnp.where(src == 2, _OFF_T, 0)
         + jnp.where(src == 3, _OFF_I, 0)).astype(jnp.int32)

  def add_off(c, _):
    idx_v[pl.ds(c * nl, nl)] = idx_v[pl.ds(c * nl, nl)] + off
    return 0

  lax.fori_loop(0, per_w // nl, add_off, 0)


def _sc_gather(table_t, bias_t, u, o, t, i):
  info = plsc.get_sparse_core_info()
  nw = info.num_cores * info.num_subcores
  nl = info.num_lanes
  n = 4 * _B
  per_w = n // nw
  nchunk = per_w // nl

  mesh = plsc.VectorSubcoreMesh(core_axis_name="c", subcore_axis_name="s")

  nh = nl // 2
  nhc = per_w // nh

  @functools.partial(
      pl.kernel,
      out_type=(
          jax.ShapeDtypeStruct((_EMBED_DIM, n), jnp.float32),
          jax.ShapeDtypeStruct((1, n), jnp.float32),
      ),
      mesh=mesh,
      compiler_params=pltpu.CompilerParams(needs_layout_passes=False),
      scratch_types=[
          pltpu.VMEM((per_w + nh,), jnp.int32),
          pltpu.VMEM((2, nh, _EMBED_DIM, _LANE), jnp.float32),
          pltpu.VMEM((_EMBED_DIM, per_w + nh), jnp.float32),
          pltpu.VMEM((per_w, _LANE), jnp.float32),
          pltpu.VMEM((1, per_w), jnp.float32),
          pltpu.SemaphoreType.DMA,
          pltpu.SemaphoreType.DMA,
          pltpu.SemaphoreType.DMA,
      ],
  )
  def k(table_hbm, bias_hbm, u_hbm, o_hbm, t_hbm, i_hbm, rows_out, bias_out,
        idx_v, blk_v, rows_v, bblk_v, bias_v, sem_0, sem_1, sem_b):
    wid = lax.axis_index("s") * info.num_cores + lax.axis_index("c")
    base = wid * per_w
    _load_my_indices(u_hbm, o_hbm, t_hbm, i_hbm,
                     idx_v.at[pl.ds(0, per_w)], wid, per_w, nl)

    lanes = lax.iota(jnp.int32, nl)

    def issue(hc):
      buf = hc % 2
      chunk = idx_v[pl.ds(hc * nh, nl)]

      def one(j, _):
        idx = jnp.sum(jnp.where(lanes == j, chunk, 0))
        blk = pl.multiple_of((idx // _LANE) * _LANE, _LANE)
        pltpu.async_copy(bias_hbm.at[:, pl.ds(blk, _LANE)],
                         bblk_v.at[pl.ds(hc * nh + j, 1), :], sem_b)

        @pl.when(buf == 0)
        def _():
          pltpu.async_copy(table_hbm.at[:, pl.ds(blk, _LANE)],
                           blk_v.at[0, j], sem_0)

        @pl.when(buf == 1)
        def _():
          pltpu.async_copy(table_hbm.at[:, pl.ds(blk, _LANE)],
                           blk_v.at[1, j], sem_1)

        return 0

      lax.fori_loop(0, nh, one, 0)

    def drain(hc):
      def one(j, _):
        @pl.when(hc % 2 == 0)
        def _():
          pltpu.make_async_copy(table_hbm.at[:, pl.ds(0, _LANE)],
                                blk_v.at[0, 0], sem_0).wait()

        @pl.when(hc % 2 == 1)
        def _():
          pltpu.make_async_copy(table_hbm.at[:, pl.ds(0, _LANE)],
                                blk_v.at[1, 0], sem_1).wait()

        return 0

      lax.fori_loop(0, nh, one, 0)

    issue(0)

    def hc_body(hc, _):
      @pl.when(hc + 1 < nhc)
      def _():
        issue(hc + 1)

      drain(hc)

      jm = lanes % nh
      cvec = plsc.load_gather(idx_v, [hc * nh + jm]) % _LANE
      bvec = jnp.full((nl,), hc % 2, jnp.int32)
      lo = lanes < nh
      hi = jnp.logical_not(lo)
      dsel = (lanes // nh) * (_EMBED_DIM // 2)

      def extract(d, _):
        vals = plsc.load_gather(blk_v, [bvec, jm, dsel + d, cvec])
        plsc.store_compressed(rows_v.at[d, pl.ds(hc * nh, nl)], vals, mask=lo)
        plsc.store_compressed(
            rows_v.at[d + _EMBED_DIM // 2, pl.ds(hc * nh, nl)], vals, mask=hi)
        return 0

      lax.fori_loop(0, _EMBED_DIM // 2, extract, 0)
      return 0

    lax.fori_loop(0, nhc, hc_body, 0)

    def bias_drain(j, _):
      pltpu.make_async_copy(bias_hbm.at[:, pl.ds(0, _LANE)],
                            bblk_v.at[pl.ds(0, 1), :], sem_b).wait()
      return 0

    lax.fori_loop(0, per_w, bias_drain, 0)

    def bias_extract(ch, _):
      chunk = idx_v[pl.ds(ch * nl, nl)]
      vals = plsc.load_gather(bblk_v, [ch * nl + lanes, chunk % _LANE])
      bias_v[0, pl.ds(ch * nl, nl)] = vals
      return 0

    lax.fori_loop(0, nchunk, bias_extract, 0)
    pltpu.sync_copy(rows_v.at[:, pl.ds(0, per_w)],
                    rows_out.at[:, pl.ds(base, per_w)])
    pltpu.sync_copy(bias_v, bias_out.at[:, pl.ds(base, per_w)])

  return k(table_t, bias_t, u, o, t, i)


def _tc_body(rows_ref, biasg_ref, out_ref):
  u = rows_ref[:, 0 * _B:1 * _B]
  o = rows_ref[:, 1 * _B:2 * _B]
  t = rows_ref[:, 2 * _B:3 * _B]
  v = rows_ref[:, 3 * _B:4 * _B]
  s = u + o + t
  cross = jnp.sum(u * o + u * t + o * t, axis=0)
  row_bias = (biasg_ref[0, 0 * _B:1 * _B] + biasg_ref[0, 1 * _B:2 * _B]
              + biasg_ref[0, 2 * _B:3 * _B])
  item_bias = biasg_ref[0, 3 * _B:4 * _B]
  inter = lax.dot_general(
      s, v, dimension_numbers=(((0,), (0,)), ((), ())),
      preferred_element_type=jnp.float32)
  out_ref[...] = inter + (cross + row_bias)[:, None] + item_bias[None, :]


def kernel(user_code, item_code, user_occupation, item_timestamp_rank,
           feature_table, bias_table):
  u = user_code.astype(jnp.int32)
  i = item_code.astype(jnp.int32)
  o = user_occupation.astype(jnp.int32)
  t = item_timestamp_rank.astype(jnp.int32)

  rows_t, bias_g = _sc_gather(feature_table.T, bias_table.T, u, o, t, i)

  return pl.pallas_call(
      _tc_body,
      out_shape=jax.ShapeDtypeStruct((_B, _B), jnp.float32),
  )(rows_t, bias_g)

# --- scband reference (transcript-rebuilt; emitter-appended) ---
"""Pipeline reference for scband-factorization-machine-19224273617570 (READ-ONLY COPY).

The authoritative reference and input builder live on the scoring server;
editing this copy changes nothing except your own understanding.
"""

import jax, jax.numpy as jnp
import numpy as np

N_USERS = 1000000
N_ITEMS = 100000
N_OCC = 1000
MAX_TS = 1000
EMBED_DIM = 32
N_FEATURES = N_USERS + N_ITEMS + N_OCC + MAX_TS
BATCH = 1024


def setup_inputs(seed: int = 0) -> dict:
    key = jax.random.key(seed)
    k1, k2, k3, k4, k5, k6 = jax.random.split(key, 6)
    user_code = jax.random.randint(k1, (BATCH,), 0, N_USERS, dtype=jnp.int32).astype(jnp.int64) if jax.config.jax_enable_x64 else jax.random.randint(k1, (BATCH,), 0, N_USERS, dtype=jnp.int32)
    item_code = jax.random.randint(k2, (BATCH,), 0, N_ITEMS, dtype=jnp.int32)
    user_occupation = jax.random.randint(k3, (BATCH,), 0, N_OCC, dtype=jnp.int32)
    item_timestamp_rank = jax.random.randint(k4, (BATCH,), 0, MAX_TS, dtype=jnp.int32)
    feature_table = jax.random.normal(k5, (N_FEATURES, EMBED_DIM), dtype=jnp.float32)
    bias_table = jax.random.normal(k6, (N_FEATURES, 1), dtype=jnp.float32)
    return {
        "user_code": user_code,
        "item_code": item_code,
        "user_occupation": user_occupation,
        "item_timestamp_rank": item_timestamp_rank,
        "feature_table": feature_table,
        "bias_table": bias_table,
    }


def reference(user_code, item_code, user_occupation, item_timestamp_rank, feature_table, bias_table):
    user_idx = user_code + 0
    item_idx = item_code + N_USERS
    occupation_idx = user_occupation + N_USERS + N_ITEMS
    timestamp_rank_idx = item_timestamp_rank + N_USERS + N_ITEMS + N_OCC

    # torch.vstack([u, o, t]).T -> shape [B, 3]
    ex_idx = jnp.stack([user_idx, occupation_idx, timestamp_rank_idx], axis=0).T

    item_bias_embeddings = jnp.take(bias_table, item_idx, axis=0)          # [B, 1]
    ex_item_bias_embeddings = jnp.take(bias_table, ex_idx, axis=0)         # [B, 3, 1]
    # [B,1] + [B] broadcasts to [B,B] (in-batch pairwise logits, same as torch)
    bias_term = ex_item_bias_embeddings.sum(axis=1) + item_bias_embeddings.squeeze(-1)

    item_feature_embeddings = jnp.take(feature_table, item_idx, axis=0)    # [B, d]
    ex_item_feature_embeddings = jnp.take(feature_table, ex_idx, axis=0)   # [B, 3, d]

    # [B,1,d] + [B,d] broadcasts to [B,B,d]
    square_of_sum = (ex_item_feature_embeddings.sum(axis=1, keepdims=True) + item_feature_embeddings) ** 2
    sum_of_square = (ex_item_feature_embeddings ** 2).sum(axis=1, keepdims=True) + item_feature_embeddings ** 2
    fm_term = 0.5 * (square_of_sum - sum_of_square).sum(axis=-1)           # [B, B]

    logits = bias_term + fm_term
    return logits

if __name__ == "__main__":
    import jax
    _d = setup_inputs()
    print(jax.jit(kernel)(*tuple(_d.values())))

</pallas_src>

<mosaic_0001>
#map = affine_map<(d0, d1) -> (0, 0)>
#map1 = affine_map<(d0, d1) -> (0)>
module attributes {stable_mosaic.version = 14 : i64} {
  func.func @k(%arg0: i32, %arg1: i32, %arg2: memref<32x1102000xf32, #tpu.memory_space<hbm>>, %arg3: memref<1x1102000xf32, #tpu.memory_space<hbm>>, %arg4: memref<1024xi32, #tpu.memory_space<hbm>>, %arg5: memref<1024xi32, #tpu.memory_space<hbm>>, %arg6: memref<1024xi32, #tpu.memory_space<hbm>>, %arg7: memref<1024xi32, #tpu.memory_space<hbm>>, %arg8: memref<32x4096xf32, #tpu.memory_space<hbm>>, %arg9: memref<1x4096xf32, #tpu.memory_space<hbm>>, %arg10: memref<136xi32, #tpu.memory_space<vmem>>, %arg11: memref<2x8x32x128xf32, #tpu.memory_space<vmem>>, %arg12: memref<32x136xf32, #tpu.memory_space<vmem>>, %arg13: memref<128x128xf32, #tpu.memory_space<vmem>>, %arg14: memref<1x128xf32, #tpu.memory_space<vmem>>, %arg15: memref<!tpu.dma_semaphore, #tpu.memory_space<semaphore_mem>>, %arg16: memref<!tpu.dma_semaphore, #tpu.memory_space<semaphore_mem>>, %arg17: memref<!tpu.dma_semaphore, #tpu.memory_space<semaphore_mem>>) attributes {dimension_semantics = [#tpu.dimension_semantics<core_parallel>, #tpu.dimension_semantics<subcore_parallel>], iteration_bounds = array<i64: 2, 16>, scalar_prefetch = 0 : i64, scratch_operands = 8 : i64, tpu.core_type = #tpu.core_type<sc_vector_subcore>, window_params = [{transform_indices = #map}, {transform_indices = #map}, {transform_indices = #map1}, {transform_indices = #map1}, {transform_indices = #map1}, {transform_indices = #map1}, {transform_indices = #map}, {transform_indices = #map}]} {
    %mul3A = arith.constant 2 : i32
    %mul3A_0 = arith.muli %arg1, %mul3A : i32
    %add3A = arith.addi %mul3A_0, %arg0 : i32
    %mul3A_1 = arith.constant 128 : i32
    %mul3A_2 = arith.muli %add3A, %mul3A_1 : i32
    %jit3A = arith.constant 8 : i32
    %div3A = arith.divsi %add3A, %jit3A : i32
    %sign3A = arith.constant 0 : i32
    %sign3A_3 = arith.cmpi sgt, %add3A, %sign3A : i32
    %sign3A_4 = arith.extui %sign3A_3 : i1 to i32
    %sign3A_5 = arith.constant 0 : i32
    %sign3A_6 = arith.cmpi slt, %add3A, %sign3A_5 : i32
    %sign3A_7 = arith.extui %sign3A_6 : i1 to i32
    %sign3A_8 = arith.subi %sign3A_4, %sign3A_7 : i32
    %sign3A_9 = arith.constant 0 : i32
    %sign3A_10 = arith.cmpi sgt, %jit3A, %sign3A_9 : i32
    %sign3A_11 = arith.extui %sign3A_10 : i1 to i32
    %sign3A_12 = arith.constant 0 : i32
    %sign3A_13 = arith.cmpi slt, %jit3A, %sign3A_12 : i32
    %sign3A_14 = arith.extui %sign3A_13 : i1 to i32
    %sign3A_15 = arith.subi %sign3A_11, %sign3A_14 : i32
    %ne3A = arith.cmpi ne, %sign3A_8, %sign3A_15 : i32
    %rem3A = arith.remsi %add3A, %jit3A : i32
    %ne3A_16 = arith.constant 0 : i32
    %ne3A_17 = arith.cmpi ne, %rem3A, %ne3A_16 : i32
    %and3A = arith.andi %ne3A, %ne3A_17 : i1
    %sub3A = arith.constant 1 : i32
    %sub3A_18 = arith.subi %div3A, %sub3A : i32
    %select_n3A = arith.select %and3A, %sub3A_18, %div3A : i32
    %jit3A_19 = arith.constant 8 : i32
    %eq3A = arith.constant 0 : i32
    %eq3A_20 = arith.cmpi eq, %jit3A_19, %eq3A : i32
    %jit3A_21 = arith.constant 1 : i32
    %select_n3A_22 = arith.select %eq3A_20, %jit3A_21, %jit3A_19 : i32
    %rem3A_23 = arith.remsi %add3A, %select_n3A_22 : i32
    %ne3A_24 = arith.constant 0 : i32
    %ne3A_25 = arith.cmpi ne, %rem3A_23, %ne3A_24 : i32
    %lt3A = arith.constant 0 : i32
    %lt3A_26 = arith.cmpi slt, %rem3A_23, %lt3A : i32
    %lt3A_27 = arith.constant 0 : i32
    %lt3A_28 = arith.cmpi slt, %select_n3A_22, %lt3A_27 : i32
    %ne3A_29 = arith.xori %lt3A_26, %lt3A_28 : i1
    %and3A_30 = arith.andi %ne3A_29, %ne3A_25 : i1
    %add3A_31 = arith.addi %rem3A_23, %select_n3A_22 : i32
    %select_n3A_32 = arith.select %and3A_30, %add3A_31, %rem3A_23 : i32
    %mul3A_33 = arith.constant 128 : i32
    %mul3A_34 = arith.muli %select_n3A_32, %mul3A_33 : i32
    %eq3A_35 = arith.constant 0 : i32
    %eq3A_36 = arith.cmpi eq, %select_n3A, %eq3A_35 : i32
    %convert_element_type3A = arith.extui %eq3A_36 : i1 to i32
    %cond3A = arith.constant 0 : i32
    %cond3A_37 = arith.cmpi ne, %convert_element_type3A, %cond3A : i32
    scf.if %cond3A_37 {
      "tpu.region"() ({
        %run_scoped3A = tpu.sem_alloc : memref<!tpu.dma_semaphore, #tpu.memory_space<semaphore_mem>>
        %dma_start3A = arith.constant 0 : i32
        %dma_start3A_105 = tpu.memref_slice %arg10[%dma_start3A] : memref<136xi32, #tpu.memory_space<vmem>> -> memref<128xi32, #tpu.memory_space<vmem>>
        %dma_start3A_106 = tpu.memref_slice %arg4[%mul3A_34] : memref<1024xi32, #tpu.memory_space<hbm>> -> memref<128xi32, #tpu.memory_space<hbm>>
        %dma_start3A_107 = arith.constant 0 : i32
        %dma_start3A_108 = tpu.memref_slice %arg10[%dma_start3A_107] : memref<136xi32, #tpu.memory_space<vmem>> -> memref<128xi32, #tpu.memory_space<vmem>>
        %dma_start3A_109 = tpu.memref_slice %arg4[%mul3A_34] : memref<1024xi32, #tpu.memory_space<hbm>> -> memref<128xi32, #tpu.memory_space<hbm>>
        tpu.enqueue_dma source(%dma_start3A_109 : memref<128xi32, #tpu.memory_space<hbm>>) target(%dma_start3A_108 : memref<128xi32, #tpu.memory_space<vmem>>) target_semaphore(%run_scoped3A : memref<!tpu.dma_semaphore, #tpu.memory_space<semaphore_mem>>)
        %dma_wait3A = arith.constant 0 : i32
        %dma_wait3A_110 = tpu.memref_slice %arg10[%dma_wait3A] : memref<136xi32, #tpu.memory_space<vmem>> -> memref<128xi32, #tpu.memory_space<vmem>>
        %dma_wait3A_111 = tpu.memref_slice %arg4[%mul3A_34] : memref<1024xi32, #tpu.memory_space<hbm>> -> memref<128xi32, #tpu.memory_space<hbm>>
        %dma_wait3A_112 = arith.constant 0 : i32
        %dma_wait3A_113 = tpu.memref_slice %arg10[%dma_wait3A_112] : memref<136xi32, #tpu.memory_space<vmem>> -> memref<128xi32, #tpu.memory_space<vmem>>
        %dma_wait3A_114 = tpu.memref_slice %arg4[%mul3A_34] : memref<1024xi32, #tpu.memory_space<hbm>> -> memref<128xi32, #tpu.memory_space<hbm>>
        tpu.wait_dma2 semaphore(%run_scoped3A : memref<!tpu.dma_semaphore, #tpu.memory_space<semaphore_mem>>) src(%dma_wait3A_114 : memref<128xi32, #tpu.memory_space<hbm>>) dst(%dma_wait3A_113 : memref<128xi32, #tpu.memory_space<vmem>>)
        tpu.yield
      }) : () -> ()
    } else {
    }
    %eq3A_38 = arith.constant 1 : i32
    %eq3A_39 = arith.cmpi eq, %select_n3A, %eq3A_38 : i32
    %convert_element_type3A_40 = arith.extui %eq3A_39 : i1 to i32
    %cond3A_41 = arith.constant 0 : i32
    %cond3A_42 = arith.cmpi ne, %convert_element_type3A_40, %cond3A_41 : i32
    scf.if %cond3A_42 {
      "tpu.region"() ({
        %run_scoped3A = tpu.sem_alloc : memref<!tpu.dma_semaphore, #tpu.memory_space<semaphore_mem>>
        %dma_start3A = arith.constant 0 : i32
        %dma_start3A_105 = tpu.memref_slice %arg10[%dma_start3A] : memref<136xi32, #tpu.memory_space<vmem>> -> memref<128xi32, #tpu.memory_space<vmem>>
        %dma_start3A_106 = tpu.memref_slice %arg5[%mul3A_34] : memref<1024xi32, #tpu.memory_space<hbm>> -> memref<128xi32, #tpu.memory_space<hbm>>
        %dma_start3A_107 = arith.constant 0 : i32
        %dma_start3A_108 = tpu.memref_slice %arg10[%dma_start3A_107] : memref<136xi32, #tpu.memory_space<vmem>> -> memref<128xi32, #tpu.memory_space<vmem>>
        %dma_start3A_109 = tpu.memref_slice %arg5[%mul3A_34] : memref<1024xi32, #tpu.memory_space<hbm>> -> memref<128xi32, #tpu.memory_space<hbm>>
        tpu.enqueue_dma source(%dma_start3A_109 : memref<128xi32, #tpu.memory_space<hbm>>) target(%dma_start3A_108 : memref<128xi32, #tpu.memory_space<vmem>>) target_semaphore(%run_scoped3A : memref<!tpu.dma_semaphore, #tpu.memory_space<semaphore_mem>>)
        %dma_wait3A = arith.constant 0 : i32
        %dma_wait3A_110 = tpu.memref_slice %arg10[%dma_wait3A] : memref<136xi32, #tpu.memory_space<vmem>> -> memref<128xi32, #tpu.memory_space<vmem>>
        %dma_wait3A_111 = tpu.memref_slice %arg5[%mul3A_34] : memref<1024xi32, #tpu.memory_space<hbm>> -> memref<128xi32, #tpu.memory_space<hbm>>
        %dma_wait3A_112 = arith.constant 0 : i32
        %dma_wait3A_113 = tpu.memref_slice %arg10[%dma_wait3A_112] : memref<136xi32, #tpu.memory_space<vmem>> -> memref<128xi32, #tpu.memory_space<vmem>>
        %dma_wait3A_114 = tpu.memref_slice %arg5[%mul3A_34] : memref<1024xi32, #tpu.memory_space<hbm>> -> memref<128xi32, #tpu.memory_space<hbm>>
        tpu.wait_dma2 semaphore(%run_scoped3A : memref<!tpu.dma_semaphore, #tpu.memory_space<semaphore_mem>>) src(%dma_wait3A_114 : memref<128xi32, #tpu.memory_space<hbm>>) dst(%dma_wait3A_113 : memref<128xi32, #tpu.memory_space<vmem>>)
        tpu.yield
      }) : () -> ()
    } else {
    }
    %eq3A_43 = arith.constant 2 : i32
    %eq3A_44 = arith.cmpi eq, %select_n3A, %eq3A_43 : i32
    %convert_element_type3A_45 = arith.extui %eq3A_44 : i1 to i32
    %cond3A_46 = arith.constant 0 : i32
    %cond3A_47 = arith.cmpi ne, %convert_element_type3A_45, %cond3A_46 : i32
    scf.if %cond3A_47 {
      "tpu.region"() ({
        %run_scoped3A = tpu.sem_alloc : memref<!tpu.dma_semaphore, #tpu.memory_space<semaphore_mem>>
        %dma_start3A = arith.constant 0 : i32
        %dma_start3A_105 = tpu.memref_slice %arg10[%dma_start3A] : memref<136xi32, #tpu.memory_space<vmem>> -> memref<128xi32, #tpu.memory_space<vmem>>
        %dma_start3A_106 = tpu.memref_slice %arg6[%mul3A_34] : memref<1024xi32, #tpu.memory_space<hbm>> -> memref<128xi32, #tpu.memory_space<hbm>>
        %dma_start3A_107 = arith.constant 0 : i32
        %dma_start3A_108 = tpu.memref_slice %arg10[%dma_start3A_107] : memref<136xi32, #tpu.memory_space<vmem>> -> memref<128xi32, #tpu.memory_space<vmem>>
        %dma_start3A_109 = tpu.memref_slice %arg6[%mul3A_34] : memref<1024xi32, #tpu.memory_space<hbm>> -> memref<128xi32, #tpu.memory_space<hbm>>
        tpu.enqueue_dma source(%dma_start3A_109 : memref<128xi32, #tpu.memory_space<hbm>>) target(%dma_start3A_108 : memref<128xi32, #tpu.memory_space<vmem>>) target_semaphore(%run_scoped3A : memref<!tpu.dma_semaphore, #tpu.memory_space<semaphore_mem>>)
        %dma_wait3A = arith.constant 0 : i32
        %dma_wait3A_110 = tpu.memref_slice %arg10[%dma_wait3A] : memref<136xi32, #tpu.memory_space<vmem>> -> memref<128xi32, #tpu.memory_space<vmem>>
        %dma_wait3A_111 = tpu.memref_slice %arg6[%mul3A_34] : memref<1024xi32, #tpu.memory_space<hbm>> -> memref<128xi32, #tpu.memory_space<hbm>>
        %dma_wait3A_112 = arith.constant 0 : i32
        %dma_wait3A_113 = tpu.memref_slice %arg10[%dma_wait3A_112] : memref<136xi32, #tpu.memory_space<vmem>> -> memref<128xi32, #tpu.memory_space<vmem>>
        %dma_wait3A_114 = tpu.memref_slice %arg6[%mul3A_34] : memref<1024xi32, #tpu.memory_space<hbm>> -> memref<128xi32, #tpu.memory_space<hbm>>
        tpu.wait_dma2 semaphore(%run_scoped3A : memref<!tpu.dma_semaphore, #tpu.memory_space<semaphore_mem>>) src(%dma_wait3A_114 : memref<128xi32, #tpu.memory_space<hbm>>) dst(%dma_wait3A_113 : memref<128xi32, #tpu.memory_space<vmem>>)
        tpu.yield
      }) : () -> ()
    } else {
    }
    %eq3A_48 = arith.constant 3 : i32
    %eq3A_49 = arith.cmpi eq, %select_n3A, %eq3A_48 : i32
    %convert_element_type3A_50 = arith.extui %eq3A_49 : i1 to i32
    %cond3A_51 = arith.constant 0 : i32
    %cond3A_52 = arith.cmpi ne, %convert_element_type3A_50, %cond3A_51 : i32
    scf.if %cond3A_52 {
      "tpu.region"() ({
        %run_scoped3A = tpu.sem_alloc : memref<!tpu.dma_semaphore, #tpu.memory_space<semaphore_mem>>
        %dma_start3A = arith.constant 0 : i32
        %dma_start3A_105 = tpu.memref_slice %arg10[%dma_start3A] : memref<136xi32, #tpu.memory_space<vmem>> -> memref<128xi32, #tpu.memory_space<vmem>>
        %dma_start3A_106 = tpu.memref_slice %arg7[%mul3A_34] : memref<1024xi32, #tpu.memory_space<hbm>> -> memref<128xi32, #tpu.memory_space<hbm>>
        %dma_start3A_107 = arith.constant 0 : i32
        %dma_start3A_108 = tpu.memref_slice %arg10[%dma_start3A_107] : memref<136xi32, #tpu.memory_space<vmem>> -> memref<128xi32, #tpu.memory_space<vmem>>
        %dma_start3A_109 = tpu.memref_slice %arg7[%mul3A_34] : memref<1024xi32, #tpu.memory_space<hbm>> -> memref<128xi32, #tpu.memory_space<hbm>>
        tpu.enqueue_dma source(%dma_start3A_109 : memref<128xi32, #tpu.memory_space<hbm>>) target(%dma_start3A_108 : memref<128xi32, #tpu.memory_space<vmem>>) target_semaphore(%run_scoped3A : memref<!tpu.dma_semaphore, #tpu.memory_space<semaphore_mem>>)
        %dma_wait3A = arith.constant 0 : i32
        %dma_wait3A_110 = tpu.memref_slice %arg10[%dma_wait3A] : memref<136xi32, #tpu.memory_space<vmem>> -> memref<128xi32, #tpu.memory_space<vmem>>
        %dma_wait3A_111 = tpu.memref_slice %arg7[%mul3A_34] : memref<1024xi32, #tpu.memory_space<hbm>> -> memref<128xi32, #tpu.memory_space<hbm>>
        %dma_wait3A_112 = arith.constant 0 : i32
        %dma_wait3A_113 = tpu.memref_slice %arg10[%dma_wait3A_112] : memref<136xi32, #tpu.memory_space<vmem>> -> memref<128xi32, #tpu.memory_space<vmem>>
        %dma_wait3A_114 = tpu.memref_slice %arg7[%mul3A_34] : memref<1024xi32, #tpu.memory_space<hbm>> -> memref<128xi32, #tpu.memory_space<hbm>>
        tpu.wait_dma2 semaphore(%run_scoped3A : memref<!tpu.dma_semaphore, #tpu.memory_space<semaphore_mem>>) src(%dma_wait3A_114 : memref<128xi32, #tpu.memory_space<hbm>>) dst(%dma_wait3A_113 : memref<128xi32, #tpu.memory_space<vmem>>)
        tpu.yield
      }) : () -> ()
    } else {
    }
    %eq3A_53 = arith.constant 1 : i32
    %eq3A_54 = arith.cmpi eq, %select_n3A, %eq3A_53 : i32
    %jit3A_55 = arith.constant 1100000 : i32
    %jit3A_56 = arith.constant 0 : i32
    %select_n3A_57 = arith.select %eq3A_54, %jit3A_55, %jit3A_56 : i32
    %eq3A_58 = arith.constant 2 : i32
    %eq3A_59 = arith.cmpi eq, %select_n3A, %eq3A_58 : i32
    %jit3A_60 = arith.constant 1101000 : i32
    %jit3A_61 = arith.constant 0 : i32
    %select_n3A_62 = arith.select %eq3A_59, %jit3A_60, %jit3A_61 : i32
    %add3A_63 = arith.addi %select_n3A_57, %select_n3A_62 : i32
    %eq3A_64 = arith.constant 3 : i32
    %eq3A_65 = arith.cmpi eq, %select_n3A, %eq3A_64 : i32
    %jit3A_66 = arith.constant 1000000 : i32
    %jit3A_67 = arith.constant 0 : i32
    %select_n3A_68 = arith.select %eq3A_65, %jit3A_66, %jit3A_67 : i32
    %add3A_69 = arith.addi %add3A_63, %select_n3A_68 : i32
    %scan3A = arith.constant 0 : i32
    %scan3A_70 = arith.constant 0 : i32
    %scan3A_71 = arith.constant 8 : i32
    %scan3A_72 = arith.addi %scan3A_70, %scan3A_71 : i32
    %scan3A_73 = arith.constant 1 : i32
    %scan3A_74 = scf.for %scan3A_105 = %scan3A_70 to %scan3A_72 step %scan3A_73 iter_args(%scan3A_106 = %scan3A) -> (i32)  : i32 {
      %mul3A_107 = arith.constant 16 : i32
      %mul3A_108 = arith.muli %scan3A_105, %mul3A_107 : i32
      %get3A_109 = arith.constant 0 : i32
      %get3A_110 = tpu.memref_slice %arg10[%get3A_109] : memref<136xi32, #tpu.memory_space<vmem>> -> memref<128xi32, #tpu.memory_space<vmem>>
      %get3A_111 = arith.index_cast %mul3A_108 : i32 to index
      %get3A_112 = tpu.vector_load %get3A_110[%get3A_111] {strides = array<i32>} : memref<128xi32, #tpu.memory_space<vmem>>, vector<16xi32>,
      %add3A_113 = vector.broadcast %add3A_69 : i32 to vector<16xi32>
      %add3A_114 = arith.addi %get3A_112, %add3A_113 : vector<16xi32>
      %mul3A_115 = arith.constant 16 : i32
      %mul3A_116 = arith.muli %scan3A_105, %mul3A_115 : i32
      %swap3A = arith.constant 0 : i32
      %swap3A_117 = tpu.memref_slice %arg10[%swap3A] : memref<136xi32, #tpu.memory_space<vmem>> -> memref<128xi32, #tpu.memory_space<vmem>>
      %swap3A_118 = arith.index_cast %mul3A_116 : i32 to index
      %swap3A_119 = tpu.vector_load %swap3A_117[%swap3A_118] {strides = array<i32>} : memref<128xi32, #tpu.memory_space<vmem>>, vector<16xi32>,
      tpu.vector_store %swap3A_117[%swap3A_118], %add3A_114 {strides = array<i32>} : memref<128xi32, #tpu.memory_space<vmem>>, vector<16xi32>,
      %scan3A_120 = arith.constant 0 : i32
      scf.yield %scan3A_120 : i32
    }
    %scan3A_75 = arith.constant 8 : i32
    %iota3A = tpu.iota {dimensions = array<i32: 0>} : vector<16xi32>
    %get3A = arith.constant 0 : index
    %get3A_76 = tpu.vector_load %arg10[%get3A] {strides = array<i32>} : memref<136xi32, #tpu.memory_space<vmem>>, vector<16xi32>,
    %scan3A_77 = arith.constant 0 : i32
    %scan3A_78 = arith.constant 0 : i32
    %scan3A_79 = arith.constant 8 : i32
    %scan3A_80 = arith.addi %scan3A_78, %scan3A_79 : i32
    %scan3A_81 = arith.constant 1 : i32
    %scan3A_82 = scf.for %scan3A_105 = %scan3A_78 to %scan3A_80 step %scan3A_81 iter_args(%scan3A_106 = %scan3A_77) -> (i32)  : i32 {
      %eq3A_107 = vector.broadcast %scan3A_105 : i32 to vector<16xi32>
      %eq3A_108 = arith.cmpi eq, %iota3A, %eq3A_107 : vector<16xi32>
      %jit3A_109 = arith.constant 0 : i32
      %broadcast_in_dim3A = vector.broadcast %jit3A_109 : i32 to vector<16xi32>
      %select_n3A_110 = arith.select %eq3A_108, %get3A_76, %broadcast_in_dim3A : vector<16xi1>, vector<16xi32>
      %reduce_sum3A = arith.constant true
      %reduce_sum3A_111 = vector.broadcast %reduce_sum3A : i1 to vector<16xi1>
      %reduce_sum3A_112 = tpu.scan <sum>, %select_n3A_110 masked %reduce_sum3A_111 : vector<16xi32>, vector<16xi1> -> vector<16xi32>
      %reduce_sum3A_113 = vector.extract %reduce_sum3A_112[15] : i32 from vector<16xi32>
      %jit3A_114 = arith.constant 128 : i32
      %div3A_115 = arith.divsi %reduce_sum3A_113, %jit3A_114 : i32
      %sign3A_116 = arith.constant 0 : i32
      %sign3A_117 = arith.cmpi sgt, %reduce_sum3A_113, %sign3A_116 : i32
      %sign3A_118 = arith.extui %sign3A_117 : i1 to i32
      %sign3A_119 = arith.constant 0 : i32
      %sign3A_120 = arith.cmpi slt, %reduce_sum3A_113, %sign3A_119 : i32
      %sign3A_121 = arith.extui %sign3A_120 : i1 to i32
      %sign3A_122 = arith.subi %sign3A_118, %sign3A_121 : i32
      %sign3A_123 = arith.constant 0 : i32
      %sign3A_124 = arith.cmpi sgt, %jit3A_114, %sign3A_123 : i32
      %sign3A_125 = arith.extui %sign3A_124 : i1 to i32
      %sign3A_126 = arith.constant 0 : i32
      %sign3A_127 = arith.cmpi slt, %jit3A_114, %sign3A_126 : i32
      %sign3A_128 = arith.extui %sign3A_127 : i1 to i32
      %sign3A_129 = arith.subi %sign3A_125, %sign3A_128 : i32
      %ne3A_130 = arith.cmpi ne, %sign3A_122, %sign3A_129 : i32
      %rem3A_131 = arith.remsi %reduce_sum3A_113, %jit3A_114 : i32
      %ne3A_132 = arith.constant 0 : i32
      %ne3A_133 = arith.cmpi ne, %rem3A_131, %ne3A_132 : i32
      %and3A_134 = arith.andi %ne3A_130, %ne3A_133 : i1
      %sub3A_135 = arith.constant 1 : i32
      %sub3A_136 = arith.subi %div3A_115, %sub3A_135 : i32
      %select_n3A_137 = arith.select %and3A_134, %sub3A_136, %div3A_115 : i32
      %mul3A_138 = arith.constant 128 : i32
      %mul3A_139 = arith.muli %select_n3A_137, %mul3A_138 : i32
      %multiple_of3A = tpu.assume_multiple %mul3A_139, 128 : i32
      %add3A_140 = arith.constant 0 : i32
      %add3A_141 = arith.addi %add3A_140, %scan3A_105 : i32
      %dma_start3A = arith.constant 0 : i32
      %dma_start3A_142 = tpu.memref_slice %arg13[%add3A_141, %dma_start3A] : memref<128x128xf32, #tpu.memory_space<vmem>> -> memref<1x128xf32, #tpu.memory_space<vmem>>
      %dma_start3A_143 = arith.constant 0 : i32
      %dma_start3A_144 = tpu.memref_slice %arg3[%dma_start3A_143, %multiple_of3A] : memref<1x1102000xf32, #tpu.memory_space<hbm>> -> memref<1x128xf32, #tpu.memory_space<hbm>>
      %dma_start3A_145 = arith.constant 0 : i32
      %dma_start3A_146 = tpu.memref_slice %arg13[%add3A_141, %dma_start3A_145] : memref<128x128xf32, #tpu.memory_space<vmem>> -> memref<1x128xf32, #tpu.memory_space<vmem>>
      %dma_start3A_147 = arith.constant 0 : i32
      %dma_start3A_148 = tpu.memref_slice %arg3[%dma_start3A_147, %multiple_of3A] : memref<1x1102000xf32, #tpu.memory_space<hbm>> -> memref<1x128xf32, #tpu.memory_space<hbm>>
      tpu.enqueue_dma source(%dma_start3A_148 : memref<1x128xf32, #tpu.memory_space<hbm>>) target(%dma_start3A_146 : memref<1x128xf32, #tpu.memory_space<vmem>>) target_semaphore(%arg17 : memref<!tpu.dma_semaphore, #tpu.memory_space<semaphore_mem>>)
      %dma_start3A_149 = arith.constant 0 : i32
      %dma_start3A_150 = arith.constant 0 : i32
      %dma_start3A_151 = arith.constant 0 : i32
      %dma_start3A_152 = tpu.memref_slice %arg11[%dma_start3A_149, %scan3A_105, %dma_start3A_150, %dma_start3A_151] : memref<2x8x32x128xf32, #tpu.memory_space<vmem>> -> memref<1x1x32x128xf32, #tpu.memory_space<vmem>>
      %dma_start3A_153 = tpu.memref_squeeze %dma_start3A_152 : memref<1x1x32x128xf32, #tpu.memory_space<vmem>> -> memref<32x128xf32, #tpu.memory_space<vmem>>
      %dma_start3A_154 = arith.constant 0 : i32
      %dma_start3A_155 = tpu.memref_slice %arg2[%dma_start3A_154, %multiple_of3A] : memref<32x1102000xf32, #tpu.memory_space<hbm>> -> memref<32x128xf32, #tpu.memory_space<hbm>>
      %dma_start3A_156 = arith.constant 0 : i32
      %dma_start3A_157 = arith.constant 0 : i32
      %dma_start3A_158 = tpu.memref_slice %arg11[%dma_start3A_149, %scan3A_105, %dma_start3A_156, %dma_start3A_157] : memref<2x8x32x128xf32, #tpu.memory_space<vmem>> -> memref<1x1x32x128xf32, #tpu.memory_space<vmem>>
      %dma_start3A_159 = tpu.memref_squeeze %dma_start3A_158 : memref<1x1x32x128xf32, #tpu.memory_space<vmem>> -> memref<32x128xf32, #tpu.memory_space<vmem>>
      %dma_start3A_160 = arith.constant 0 : i32
      %dma_start3A_161 = tpu.memref_slice %arg2[%dma_start3A_160, %multiple_of3A] : memref<32x1102000xf32, #tpu.memory_space<hbm>> -> memref<32x128xf32, #tpu.memory_space<hbm>>
      tpu.enqueue_dma source(%dma_start3A_161 : memref<32x128xf32, #tpu.memory_space<hbm>>) target(%dma_start3A_159 : memref<32x128xf32, #tpu.memory_space<vmem>>) target_semaphore(%arg15 : memref<!tpu.dma_semaphore, #tpu.memory_space<semaphore_mem>>)
      %scan3A_162 = arith.constant 0 : i32
      scf.yield %scan3A_162 : i32
    }
    %scan3A_83 = arith.constant 8 : i32
    %scan3A_84 = arith.constant 0 : i32
    %scan3A_85 = arith.constant 0 : i32
    %scan3A_86 = arith.constant 16 : i32
    %scan3A_87 = arith.addi %scan3A_85, %scan3A_86 : i32
    %scan3A_88 = arith.constant 1 : i32
    %scan3A_89 = scf.for %scan3A_105 = %scan3A_85 to %scan3A_87 step %scan3A_88 iter_args(%scan3A_106 = %scan3A_84) -> (i32)  : i32 {
      %add3A_107 = arith.constant 1 : i32
      %add3A_108 = arith.addi %scan3A_105, %add3A_107 : i32
      %lt3A_109 = arith.constant 16 : i32
      %lt3A_110 = arith.cmpi slt, %add3A_108, %lt3A_109 : i32
      %convert_element_type3A_111 = arith.extui %lt3A_110 : i1 to i32
      %cond3A_112 = arith.constant 0 : i32
      %cond3A_113 = arith.cmpi ne, %convert_element_type3A_111, %cond3A_112 : i32
      scf.if %cond3A_113 {
        %add3A_231 = arith.constant 1 : i32
        %add3A_232 = arith.addi %scan3A_105, %add3A_231 : i32
        %jit3A_233 = arith.constant 2 : i32
        %eq3A_234 = arith.constant 0 : i32
        %eq3A_235 = arith.cmpi eq, %jit3A_233, %eq3A_234 : i32
        %jit3A_236 = arith.constant 1 : i32
        %select_n3A_237 = arith.select %eq3A_235, %jit3A_236, %jit3A_233 : i32
        %rem3A_238 = arith.remsi %add3A_232, %select_n3A_237 : i32
        %ne3A_239 = arith.constant 0 : i32
        %ne3A_240 = arith.cmpi ne, %rem3A_238, %ne3A_239 : i32
        %lt3A_241 = arith.constant 0 : i32
        %lt3A_242 = arith.cmpi slt, %rem3A_238, %lt3A_241 : i32
        %lt3A_243 = arith.constant 0 : i32
        %lt3A_244 = arith.cmpi slt, %select_n3A_237, %lt3A_243 : i32
        %ne3A_245 = arith.xori %lt3A_242, %lt3A_244 : i1
        %and3A_246 = arith.andi %ne3A_245, %ne3A_240 : i1
        %add3A_247 = arith.addi %rem3A_238, %select_n3A_237 : i32
        %select_n3A_248 = arith.select %and3A_246, %add3A_247, %rem3A_238 : i32
        %mul3A_249 = arith.constant 8 : i32
        %mul3A_250 = arith.muli %add3A_232, %mul3A_249 : i32
        %get3A_251 = arith.index_cast %mul3A_250 : i32 to index
        %get3A_252 = tpu.vector_load %arg10[%get3A_251] {strides = array<i32>} : memref<136xi32, #tpu.memory_space<vmem>>, vector<16xi32>,
        %scan3A_253 = arith.constant 0 : i32
        %scan3A_254 = arith.constant 0 : i32
        %scan3A_255 = arith.constant 8 : i32
        %scan3A_256 = arith.addi %scan3A_254, %scan3A_255 : i32
        %scan3A_257 = arith.constant 1 : i32
        %scan3A_258 = scf.for %scan3A_260 = %scan3A_254 to %scan3A_256 step %scan3A_257 iter_args(%scan3A_261 = %scan3A_253) -> (i32)  : i32 {
          %eq3A_262 = vector.broadcast %scan3A_260 : i32 to vector<16xi32>
          %eq3A_263 = arith.cmpi eq, %iota3A, %eq3A_262 : vector<16xi32>
          %jit3A_264 = arith.constant 0 : i32
          %broadcast_in_dim3A_265 = vector.broadcast %jit3A_264 : i32 to vector<16xi32>
          %select_n3A_266 = arith.select %eq3A_263, %get3A_252, %broadcast_in_dim3A_265 : vector<16xi1>, vector<16xi32>
          %reduce_sum3A = arith.constant true
          %reduce_sum3A_267 = vector.broadcast %reduce_sum3A : i1 to vector<16xi1>
          %reduce_sum3A_268 = tpu.scan <sum>, %select_n3A_266 masked %reduce_sum3A_267 : vector<16xi32>, vector<16xi1> -> vector<16xi32>
          %reduce_sum3A_269 = vector.extract %reduce_sum3A_268[15] : i32 from vector<16xi32>
          %jit3A_270 = arith.constant 128 : i32
          %div3A_271 = arith.divsi %reduce_sum3A_269, %jit3A_270 : i32
          %sign3A_272 = arith.constant 0 : i32
          %sign3A_273 = arith.cmpi sgt, %reduce_sum3A_269, %sign3A_272 : i32
          %sign3A_274 = arith.extui %sign3A_273 : i1 to i32
          %sign3A_275 = arith.constant 0 : i32
          %sign3A_276 = arith.cmpi slt, %reduce_sum3A_269, %sign3A_275 : i32
          %sign3A_277 = arith.extui %sign3A_276 : i1 to i32
          %sign3A_278 = arith.subi %sign3A_274, %sign3A_277 : i32
          %sign3A_279 = arith.constant 0 : i32
          %sign3A_280 = arith.cmpi sgt, %jit3A_270, %sign3A_279 : i32
          %sign3A_281 = arith.extui %sign3A_280 : i1 to i32
          %sign3A_282 = arith.constant 0 : i32
          %sign3A_283 = arith.cmpi slt, %jit3A_270, %sign3A_282 : i32
          %sign3A_284 = arith.extui %sign3A_283 : i1 to i32
          %sign3A_285 = arith.subi %sign3A_281, %sign3A_284 : i32
          %ne3A_286 = arith.cmpi ne, %sign3A_278, %sign3A_285 : i32
          %rem3A_287 = arith.remsi %reduce_sum3A_269, %jit3A_270 : i32
          %ne3A_288 = arith.constant 0 : i32
          %ne3A_289 = arith.cmpi ne, %rem3A_287, %ne3A_288 : i32
          %and3A_290 = arith.andi %ne3A_286, %ne3A_289 : i1
          %sub3A_291 = arith.constant 1 : i32
          %sub3A_292 = arith.subi %div3A_271, %sub3A_291 : i32
          %select_n3A_293 = arith.select %and3A_290, %sub3A_292, %div3A_271 : i32
          %mul3A_294 = arith.constant 128 : i32
          %mul3A_295 = arith.muli %select_n3A_293, %mul3A_294 : i32
          %multiple_of3A = tpu.assume_multiple %mul3A_295, 128 : i32
          %mul3A_296 = arith.constant 8 : i32
          %mul3A_297 = arith.muli %add3A_232, %mul3A_296 : i32
          %add3A_298 = arith.addi %mul3A_297, %scan3A_260 : i32
          %dma_start3A = arith.constant 0 : i32
          %dma_start3A_299 = tpu.memref_slice %arg13[%add3A_298, %dma_start3A] : memref<128x128xf32, #tpu.memory_space<vmem>> -> memref<1x128xf32, #tpu.memory_space<vmem>>
          %dma_start3A_300 = arith.constant 0 : i32
          %dma_start3A_301 = tpu.memref_slice %arg3[%dma_start3A_300, %multiple_of3A] : memref<1x1102000xf32, #tpu.memory_space<hbm>> -> memref<1x128xf32, #tpu.memory_space<hbm>>
          %dma_start3A_302 = arith.constant 0 : i32
          %dma_start3A_303 = tpu.memref_slice %arg13[%add3A_298, %dma_start3A_302] : memref<128x128xf32, #tpu.memory_space<vmem>> -> memref<1x128xf32, #tpu.memory_space<vmem>>
          %dma_start3A_304 = arith.constant 0 : i32
          %dma_start3A_305 = tpu.memref_slice %arg3[%dma_start3A_304, %multiple_of3A] : memref<1x1102000xf32, #tpu.memory_space<hbm>> -> memref<1x128xf32, #tpu.memory_space<hbm>>
          tpu.enqueue_dma source(%dma_start3A_305 : memref<1x128xf32, #tpu.memory_space<hbm>>) target(%dma_start3A_303 : memref<1x128xf32, #tpu.memory_space<vmem>>) target_semaphore(%arg17 : memref<!tpu.dma_semaphore, #tpu.memory_space<semaphore_mem>>)
          %eq3A_306 = arith.constant 0 : i32
          %eq3A_307 = arith.cmpi eq, %select_n3A_248, %eq3A_306 : i32
          %convert_element_type3A_308 = arith.extui %eq3A_307 : i1 to i32
          %cond3A_309 = arith.constant 0 : i32
          %cond3A_310 = arith.cmpi ne, %convert_element_type3A_308, %cond3A_309 : i32
          scf.if %cond3A_310 {
            %dma_start3A_317 = arith.constant 0 : i32
            %dma_start3A_318 = arith.constant 0 : i32
            %dma_start3A_319 = arith.constant 0 : i32
            %dma_start3A_320 = tpu.memref_slice %arg11[%dma_start3A_317, %scan3A_260, %dma_start3A_318, %dma_start3A_319] : memref<2x8x32x128xf32, #tpu.memory_space<vmem>> -> memref<1x1x32x128xf32, #tpu.memory_space<vmem>>
            %dma_start3A_321 = tpu.memref_squeeze %dma_start3A_320 : memref<1x1x32x128xf32, #tpu.memory_space<vmem>> -> memref<32x128xf32, #tpu.memory_space<vmem>>
            %dma_start3A_322 = arith.constant 0 : i32
            %dma_start3A_323 = tpu.memref_slice %arg2[%dma_start3A_322, %multiple_of3A] : memref<32x1102000xf32, #tpu.memory_space<hbm>> -> memref<32x128xf32, #tpu.memory_space<hbm>>
            %dma_start3A_324 = arith.constant 0 : i32
            %dma_start3A_325 = arith.constant 0 : i32
            %dma_start3A_326 = tpu.memref_slice %arg11[%dma_start3A_317, %scan3A_260, %dma_start3A_324, %dma_start3A_325] : memref<2x8x32x128xf32, #tpu.memory_space<vmem>> -> memref<1x1x32x128xf32, #tpu.memory_space<vmem>>
            %dma_start3A_327 = tpu.memref_squeeze %dma_start3A_326 : memref<1x1x32x128xf32, #tpu.memory_space<vmem>> -> memref<32x128xf32, #tpu.memory_space<vmem>>
            %dma_start3A_328 = arith.constant 0 : i32
            %dma_start3A_329 = tpu.memref_slice %arg2[%dma_start3A_328, %multiple_of3A] : memref<32x1102000xf32, #tpu.memory_space<hbm>> -> memref<32x128xf32, #tpu.memory_space<hbm>>
            tpu.enqueue_dma source(%dma_start3A_329 : memref<32x128xf32, #tpu.memory_space<hbm>>) target(%dma_start3A_327 : memref<32x128xf32, #tpu.memory_space<vmem>>) target_semaphore(%arg15 : memref<!tpu.dma_semaphore, #tpu.memory_space<semaphore_mem>>)
          } else {
          }
          %eq3A_311 = arith.constant 1 : i32
          %eq3A_312 = arith.cmpi eq, %select_n3A_248, %eq3A_311 : i32
          %convert_element_type3A_313 = arith.extui %eq3A_312 : i1 to i32
          %cond3A_314 = arith.constant 0 : i32
          %cond3A_315 = arith.cmpi ne, %convert_element_type3A_313, %cond3A_314 : i32
          scf.if %cond3A_315 {
            %dma_start3A_317 = arith.constant 1 : i32
            %dma_start3A_318 = arith.constant 0 : i32
            %dma_start3A_319 = arith.constant 0 : i32
            %dma_start3A_320 = tpu.memref_slice %arg11[%dma_start3A_317, %scan3A_260, %dma_start3A_318, %dma_start3A_319] : memref<2x8x32x128xf32, #tpu.memory_space<vmem>> -> memref<1x1x32x128xf32, #tpu.memory_space<vmem>>
            %dma_start3A_321 = tpu.memref_squeeze %dma_start3A_320 : memref<1x1x32x128xf32, #tpu.memory_space<vmem>> -> memref<32x128xf32, #tpu.memory_space<vmem>>
            %dma_start3A_322 = arith.constant 0 : i32
            %dma_start3A_323 = tpu.memref_slice %arg2[%dma_start3A_322, %multiple_of3A] : memref<32x1102000xf32, #tpu.memory_space<hbm>> -> memref<32x128xf32, #tpu.memory_space<hbm>>
            %dma_start3A_324 = arith.constant 0 : i32
            %dma_start3A_325 = arith.constant 0 : i32
            %dma_start3A_326 = tpu.memref_slice %arg11[%dma_start3A_317, %scan3A_260, %dma_start3A_324, %dma_start3A_325] : memref<2x8x32x128xf32, #tpu.memory_space<vmem>> -> memref<1x1x32x128xf32, #tpu.memory_space<vmem>>
            %dma_start3A_327 = tpu.memref_squeeze %dma_start3A_326 : memref<1x1x32x128xf32, #tpu.memory_space<vmem>> -> memref<32x128xf32, #tpu.memory_space<vmem>>
            %dma_start3A_328 = arith.constant 0 : i32
            %dma_start3A_329 = tpu.memref_slice %arg2[%dma_start3A_328, %multiple_of3A] : memref<32x1102000xf32, #tpu.memory_space<hbm>> -> memref<32x128xf32, #tpu.memory_space<hbm>>
            tpu.enqueue_dma source(%dma_start3A_329 : memref<32x128xf32, #tpu.memory_space<hbm>>) target(%dma_start3A_327 : memref<32x128xf32, #tpu.memory_space<vmem>>) target_semaphore(%arg16 : memref<!tpu.dma_semaphore, #tpu.memory_space<semaphore_mem>>)
          } else {
          }
          %scan3A_316 = arith.constant 0 : i32
          scf.yield %scan3A_316 : i32
        }
        %scan3A_259 = arith.constant 8 : i32
      } else {
      }
      %scan3A_114 = arith.constant 0 : i32
      %scan3A_115 = arith.constant 0 : i32
      %scan3A_116 = arith.constant 8 : i32
      %scan3A_117 = arith.addi %scan3A_115, %scan3A_116 : i32
      %scan3A_118 = arith.constant 1 : i32
      %scan3A_119 = scf.for %scan3A_231 = %scan3A_115 to %scan3A_117 step %scan3A_118 iter_args(%scan3A_232 = %scan3A_114) -> (i32)  : i32 {
        %jit3A_233 = arith.constant 2 : i32
        %eq3A_234 = arith.constant 0 : i32
        %eq3A_235 = arith.cmpi eq, %jit3A_233, %eq3A_234 : i32
        %jit3A_236 = arith.constant 1 : i32
        %select_n3A_237 = arith.select %eq3A_235, %jit3A_236, %jit3A_233 : i32
        %rem3A_238 = arith.remsi %scan3A_105, %select_n3A_237 : i32
        %ne3A_239 = arith.constant 0 : i32
        %ne3A_240 = arith.cmpi ne, %rem3A_238, %ne3A_239 : i32
        %lt3A_241 = arith.constant 0 : i32
        %lt3A_242 = arith.cmpi slt, %rem3A_238, %lt3A_241 : i32
        %lt3A_243 = arith.constant 0 : i32
        %lt3A_244 = arith.cmpi slt, %select_n3A_237, %lt3A_243 : i32
        %ne3A_245 = arith.xori %lt3A_242, %lt3A_244 : i1
        %and3A_246 = arith.andi %ne3A_245, %ne3A_240 : i1
        %add3A_247 = arith.addi %rem3A_238, %select_n3A_237 : i32
        %select_n3A_248 = arith.select %and3A_246, %add3A_247, %rem3A_238 : i32
        %eq3A_249 = arith.constant 0 : i32
        %eq3A_250 = arith.cmpi eq, %select_n3A_248, %eq3A_249 : i32
        %convert_element_type3A_251 = arith.extui %eq3A_250 : i1 to i32
        %cond3A_252 = arith.constant 0 : i32
        %cond3A_253 = arith.cmpi ne, %convert_element_type3A_251, %cond3A_252 : i32
        scf.if %cond3A_253 {
          %dma_wait3A = arith.constant 0 : i32
          %dma_wait3A_276 = arith.constant 0 : i32
          %dma_wait3A_277 = arith.constant 0 : i32
          %dma_wait3A_278 = arith.constant 0 : i32
          %dma_wait3A_279 = tpu.memref_slice %arg11[%dma_wait3A, %dma_wait3A_276, %dma_wait3A_277, %dma_wait3A_278] : memref<2x8x32x128xf32, #tpu.memory_space<vmem>> -> memref<1x1x32x128xf32, #tpu.memory_space<vmem>>
          %dma_wait3A_280 = tpu.memref_squeeze %dma_wait3A_279 : memref<1x1x32x128xf32, #tpu.memory_space<vmem>> -> memref<32x128xf32, #tpu.memory_space<vmem>>
          %dma_wait3A_281 = arith.constant 0 : i32
          %dma_wait3A_282 = arith.constant 0 : i32
          %dma_wait3A_283 = tpu.memref_slice %arg2[%dma_wait3A_281, %dma_wait3A_282] : memref<32x1102000xf32, #tpu.memory_space<hbm>> -> memref<32x128xf32, #tpu.memory_space<hbm>>
          %dma_wait3A_284 = arith.constant 0 : i32
          %dma_wait3A_285 = arith.constant 0 : i32
          %dma_wait3A_286 = tpu.memref_slice %arg11[%dma_wait3A, %dma_wait3A_276, %dma_wait3A_284, %dma_wait3A_285] : memref<2x8x32x128xf32, #tpu.memory_space<vmem>> -> memref<1x1x32x128xf32, #tpu.memory_space<vmem>>
          %dma_wait3A_287 = tpu.memref_squeeze %dma_wait3A_286 : memref<1x1x32x128xf32, #tpu.memory_space<vmem>> -> memref<32x128xf32, #tpu.memory_space<vmem>>
          %dma_wait3A_288 = arith.constant 0 : i32
          %dma_wait3A_289 = arith.constant 0 : i32
          %dma_wait3A_290 = tpu.memref_slice %arg2[%dma_wait3A_288, %dma_wait3A_289] : memref<32x1102000xf32, #tpu.memory_space<hbm>> -> memref<32x128xf32, #tpu.memory_space<hbm>>
          tpu.wait_dma2 semaphore(%arg15 : memref<!tpu.dma_semaphore, #tpu.memory_space<semaphore_mem>>) src(%dma_wait3A_290 : memref<32x128xf32, #tpu.memory_space<hbm>>) dst(%dma_wait3A_287 : memref<32x128xf32, #tpu.memory_space<vmem>>)
        } else {
        }
        %jit3A_254 = arith.constant 2 : i32
        %eq3A_255 = arith.constant 0 : i32
        %eq3A_256 = arith.cmpi eq, %jit3A_254, %eq3A_255 : i32
        %jit3A_257 = arith.constant 1 : i32
        %select_n3A_258 = arith.select %eq3A_256, %jit3A_257, %jit3A_254 : i32
        %rem3A_259 = arith.remsi %scan3A_105, %select_n3A_258 : i32
        %ne3A_260 = arith.constant 0 : i32
        %ne3A_261 = arith.cmpi ne, %rem3A_259, %ne3A_260 : i32
        %lt3A_262 = arith.constant 0 : i32
        %lt3A_263 = arith.cmpi slt, %rem3A_259, %lt3A_262 : i32
        %lt3A_264 = arith.constant 0 : i32
        %lt3A_265 = arith.cmpi slt, %select_n3A_258, %lt3A_264 : i32
        %ne3A_266 = arith.xori %lt3A_263, %lt3A_265 : i1
        %and3A_267 = arith.andi %ne3A_266, %ne3A_261 : i1
        %add3A_268 = arith.addi %rem3A_259, %select_n3A_258 : i32
        %select_n3A_269 = arith.select %and3A_267, %add3A_268, %rem3A_259 : i32
        %eq3A_270 = arith.constant 1 : i32
        %eq3A_271 = arith.cmpi eq, %select_n3A_269, %eq3A_270 : i32
        %convert_element_type3A_272 = arith.extui %eq3A_271 : i1 to i32
        %cond3A_273 = arith.constant 0 : i32
        %cond3A_274 = arith.cmpi ne, %convert_element_type3A_272, %cond3A_273 : i32
        scf.if %cond3A_274 {
          %dma_wait3A = arith.constant 1 : i32
          %dma_wait3A_276 = arith.constant 0 : i32
          %dma_wait3A_277 = arith.constant 0 : i32
          %dma_wait3A_278 = arith.constant 0 : i32
          %dma_wait3A_279 = tpu.memref_slice %arg11[%dma_wait3A, %dma_wait3A_276, %dma_wait3A_277, %dma_wait3A_278] : memref<2x8x32x128xf32, #tpu.memory_space<vmem>> -> memref<1x1x32x128xf32, #tpu.memory_space<vmem>>
          %dma_wait3A_280 = tpu.memref_squeeze %dma_wait3A_279 : memref<1x1x32x128xf32, #tpu.memory_space<vmem>> -> memref<32x128xf32, #tpu.memory_space<vmem>>
          %dma_wait3A_281 = arith.constant 0 : i32
          %dma_wait3A_282 = arith.constant 0 : i32
          %dma_wait3A_283 = tpu.memref_slice %arg2[%dma_wait3A_281, %dma_wait3A_282] : memref<32x1102000xf32, #tpu.memory_space<hbm>> -> memref<32x128xf32, #tpu.memory_space<hbm>>
          %dma_wait3A_284 = arith.constant 0 : i32
          %dma_wait3A_285 = arith.constant 0 : i32
          %dma_wait3A_286 = tpu.memref_slice %arg11[%dma_wait3A, %dma_wait3A_276, %dma_wait3A_284, %dma_wait3A_285] : memref<2x8x32x128xf32, #tpu.memory_space<vmem>> -> memref<1x1x32x128xf32, #tpu.memory_space<vmem>>
          %dma_wait3A_287 = tpu.memref_squeeze %dma_wait3A_286 : memref<1x1x32x128xf32, #tpu.memory_space<vmem>> -> memref<32x128xf32, #tpu.memory_space<vmem>>
          %dma_wait3A_288 = arith.constant 0 : i32
          %dma_wait3A_289 = arith.constant 0 : i32
          %dma_wait3A_290 = tpu.memref_slice %arg2[%dma_wait3A_288, %dma_wait3A_289] : memref<32x1102000xf32, #tpu.memory_space<hbm>> -> memref<32x128xf32, #tpu.memory_space<hbm>>
          tpu.wait_dma2 semaphore(%arg16 : memref<!tpu.dma_semaphore, #tpu.memory_space<semaphore_mem>>) src(%dma_wait3A_290 : memref<32x128xf32, #tpu.memory_space<hbm>>) dst(%dma_wait3A_287 : memref<32x128xf32, #tpu.memory_space<vmem>>)
        } else {
        }
        %scan3A_275 = arith.constant 0 : i32
        scf.yield %scan3A_275 : i32
      }
      %scan3A_120 = arith.constant 8 : i32
      %jit3A_121 = arith.constant 8 : i32
      %eq3A_122 = arith.constant 0 : i32
      %eq3A_123 = arith.cmpi eq, %jit3A_121, %eq3A_122 : i32
      %jit3A_124 = arith.constant 1 : i32
      %select_n3A_125 = arith.select %eq3A_123, %jit3A_124, %jit3A_121 : i32
      %rem3A_126 = vector.broadcast %select_n3A_125 : i32 to vector<16xi32>
      %rem3A_127 = arith.remsi %iota3A, %rem3A_126 : vector<16xi32>
      %ne3A_128 = arith.constant 0 : i32
      %ne3A_129 = vector.broadcast %ne3A_128 : i32 to vector<16xi32>
      %ne3A_130 = arith.cmpi ne, %rem3A_127, %ne3A_129 : vector<16xi32>
      %lt3A_131 = arith.constant 0 : i32
      %lt3A_132 = vector.broadcast %lt3A_131 : i32 to vector<16xi32>
      %lt3A_133 = arith.cmpi slt, %rem3A_127, %lt3A_132 : vector<16xi32>
      %lt3A_134 = arith.constant 0 : i32
      %lt3A_135 = arith.cmpi slt, %select_n3A_125, %lt3A_134 : i32
      %ne3A_136 = vector.broadcast %lt3A_135 : i1 to vector<16xi1>
      %ne3A_137 = vector.broadcast %ne3A_136 : vector<16xi1> to vector<16xi1>
      %ne3A_138 = arith.xori %lt3A_133, %ne3A_137 : vector<16xi1>
      %and3A_139 = arith.andi %ne3A_138, %ne3A_130 : vector<16xi1>
      %add3A_140 = vector.broadcast %select_n3A_125 : i32 to vector<16xi32>
      %add3A_141 = arith.addi %rem3A_127, %add3A_140 : vector<16xi32>
      %select_n3A_142 = arith.select %and3A_139, %add3A_141, %rem3A_127 : vector<16xi1>, vector<16xi32>
      %mul3A_143 = arith.constant 8 : i32
      %mul3A_144 = arith.muli %scan3A_105, %mul3A_143 : i32
      %add3A_145 = vector.broadcast %mul3A_144 : i32 to vector<16xi32>
      %add3A_146 = arith.addi %add3A_145, %select_n3A_142 : vector<16xi32>
      %gather3A = tpu.vector_load_idx %arg10[%add3A_146] : memref<136xi32, #tpu.memory_space<vmem>>[vector<16xi32>], vector<16xi32>,
      %jit3A_147 = arith.constant 128 : i32
      %eq3A_148 = arith.constant 0 : i32
      %eq3A_149 = arith.cmpi eq, %jit3A_147, %eq3A_148 : i32
      %jit3A_150 = arith.constant 1 : i32
      %select_n3A_151 = arith.select %eq3A_149, %jit3A_150, %jit3A_147 : i32
      %rem3A_152 = vector.broadcast %select_n3A_151 : i32 to vector<16xi32>
      %rem3A_153 = arith.remsi %gather3A, %rem3A_152 : vector<16xi32>
      %ne3A_154 = arith.constant 0 : i32
      %ne3A_155 = vector.broadcast %ne3A_154 : i32 to vector<16xi32>
      %ne3A_156 = arith.cmpi ne, %rem3A_153, %ne3A_155 : vector<16xi32>
      %lt3A_157 = arith.constant 0 : i32
      %lt3A_158 = vector.broadcast %lt3A_157 : i32 to vector<16xi32>
      %lt3A_159 = arith.cmpi slt, %rem3A_153, %lt3A_158 : vector<16xi32>
      %lt3A_160 = arith.constant 0 : i32
      %lt3A_161 = arith.cmpi slt, %select_n3A_151, %lt3A_160 : i32
      %ne3A_162 = vector.broadcast %lt3A_161 : i1 to vector<16xi1>
      %ne3A_163 = vector.broadcast %ne3A_162 : vector<16xi1> to vector<16xi1>
      %ne3A_164 = arith.xori %lt3A_159, %ne3A_163 : vector<16xi1>
      %and3A_165 = arith.andi %ne3A_164, %ne3A_156 : vector<16xi1>
      %add3A_166 = vector.broadcast %select_n3A_151 : i32 to vector<16xi32>
      %add3A_167 = arith.addi %rem3A_153, %add3A_166 : vector<16xi32>
      %select_n3A_168 = arith.select %and3A_165, %add3A_167, %rem3A_153 : vector<16xi1>, vector<16xi32>
      %jit3A_169 = arith.constant 2 : i32
      %eq3A_170 = arith.constant 0 : i32
      %eq3A_171 = arith.cmpi eq, %jit3A_169, %eq3A_170 : i32
      %jit3A_172 = arith.constant 1 : i32
      %select_n3A_173 = arith.select %eq3A_171, %jit3A_172, %jit3A_169 : i32
      %rem3A_174 = arith.remsi %scan3A_105, %select_n3A_173 : i32
      %ne3A_175 = arith.constant 0 : i32
      %ne3A_176 = arith.cmpi ne, %rem3A_174, %ne3A_175 : i32
      %lt3A_177 = arith.constant 0 : i32
      %lt3A_178 = arith.cmpi slt, %rem3A_174, %lt3A_177 : i32
      %lt3A_179 = arith.constant 0 : i32
      %lt3A_180 = arith.cmpi slt, %select_n3A_173, %lt3A_179 : i32
      %ne3A_181 = arith.xori %lt3A_178, %lt3A_180 : i1
      %and3A_182 = arith.andi %ne3A_181, %ne3A_176 : i1
      %add3A_183 = arith.addi %rem3A_174, %select_n3A_173 : i32
      %select_n3A_184 = arith.select %and3A_182, %add3A_183, %rem3A_174 : i32
      %broadcast_in_dim3A = vector.broadcast %select_n3A_184 : i32 to vector<16xi32>
      %lt3A_185 = arith.constant 8 : i32
      %lt3A_186 = vector.broadcast %lt3A_185 : i32 to vector<16xi32>
      %lt3A_187 = arith.cmpi slt, %iota3A, %lt3A_186 : vector<16xi32>
      %not3A = arith.constant dense<true> : vector<16xi1>
      %not3A_188 = arith.xori %lt3A_187, %not3A : vector<16xi1>
      %jit3A_189 = arith.constant 8 : i32
      %div3A_190 = vector.broadcast %jit3A_189 : i32 to vector<16xi32>
      %div3A_191 = arith.divsi %iota3A, %div3A_190 : vector<16xi32>
      %sign3A_192 = arith.constant 0 : i32
      %sign3A_193 = vector.broadcast %sign3A_192 : i32 to vector<16xi32>
      %sign3A_194 = arith.cmpi sgt, %iota3A, %sign3A_193 : vector<16xi32>
      %sign3A_195 = arith.extui %sign3A_194 : vector<16xi1> to vector<16xi32>
      %sign3A_196 = arith.constant 0 : i32
      %sign3A_197 = vector.broadcast %sign3A_196 : i32 to vector<16xi32>
      %sign3A_198 = arith.cmpi slt, %iota3A, %sign3A_197 : vector<16xi32>
      %sign3A_199 = arith.extui %sign3A_198 : vector<16xi1> to vector<16xi32>
      %sign3A_200 = arith.subi %sign3A_195, %sign3A_199 : vector<16xi32>
      %sign3A_201 = arith.constant 0 : i32
      %sign3A_202 = arith.cmpi sgt, %jit3A_189, %sign3A_201 : i32
      %sign3A_203 = arith.extui %sign3A_202 : i1 to i32
      %sign3A_204 = arith.constant 0 : i32
      %sign3A_205 = arith.cmpi slt, %jit3A_189, %sign3A_204 : i32
      %sign3A_206 = arith.extui %sign3A_205 : i1 to i32
      %sign3A_207 = arith.subi %sign3A_203, %sign3A_206 : i32
      %ne3A_208 = vector.broadcast %sign3A_207 : i32 to vector<16xi32>
      %ne3A_209 = arith.cmpi ne, %sign3A_200, %ne3A_208 : vector<16xi32>
      %rem3A_210 = vector.broadcast %jit3A_189 : i32 to vector<16xi32>
      %rem3A_211 = arith.remsi %iota3A, %rem3A_210 : vector<16xi32>
      %ne3A_212 = arith.constant 0 : i32
      %ne3A_213 = vector.broadcast %ne3A_212 : i32 to vector<16xi32>
      %ne3A_214 = arith.cmpi ne, %rem3A_211, %ne3A_213 : vector<16xi32>
      %and3A_215 = arith.andi %ne3A_209, %ne3A_214 : vector<16xi1>
      %sub3A_216 = arith.constant 1 : i32
      %sub3A_217 = vector.broadcast %sub3A_216 : i32 to vector<16xi32>
      %sub3A_218 = arith.subi %div3A_191, %sub3A_217 : vector<16xi32>
      %select_n3A_219 = arith.select %and3A_215, %sub3A_218, %div3A_191 : vector<16xi1>, vector<16xi32>
      %mul3A_220 = arith.constant 16 : i32
      %mul3A_221 = vector.broadcast %mul3A_220 : i32 to vector<16xi32>
      %mul3A_222 = arith.muli %select_n3A_219, %mul3A_221 : vector<16xi32>
      %scan3A_223 = arith.constant 0 : i32
      %scan3A_224 = arith.constant 0 : i32
      %scan3A_225 = arith.constant 16 : i32
      %scan3A_226 = arith.addi %scan3A_224, %scan3A_225 : i32
      %scan3A_227 = arith.constant 1 : i32
      %scan3A_228 = scf.for %scan3A_231 = %scan3A_224 to %scan3A_226 step %scan3A_227 iter_args(%scan3A_232 = %scan3A_223) -> (i32)  : i32 {
        %add3A_233 = vector.broadcast %scan3A_231 : i32 to vector<16xi32>
        %add3A_234 = arith.addi %mul3A_222, %add3A_233 : vector<16xi32>
        %gather3A_235 = tpu.vector_load_idx %arg11[%broadcast_in_dim3A, %select_n3A_142, %add3A_234, %select_n3A_168] : memref<2x8x32x128xf32, #tpu.memory_space<vmem>>[vector<16xi32>, vector<16xi32>, vector<16xi32>, vector<16xi32>], vector<16xf32>,
        %mul3A_236 = arith.constant 8 : i32
        %mul3A_237 = arith.muli %scan3A_105, %mul3A_236 : i32
        %swap3A = arith.index_cast %scan3A_231 : i32 to index
        %swap3A_238 = arith.index_cast %mul3A_237 : i32 to index
        %swap3A_239 = tpu.vector_load %arg12[%swap3A, %swap3A_238] masked %lt3A_187 {strides = array<i32>} : memref<32x136xf32, #tpu.memory_space<vmem>>, vector<16xf32>, vector<16xi1>
        tpu.vector_store %arg12[%swap3A, %swap3A_238], %gather3A_235 masked %lt3A_187 {strides = array<i32>} : memref<32x136xf32, #tpu.memory_space<vmem>>, vector<16xf32>, vector<16xi1>
        %add3A_240 = arith.constant 16 : i32
        %add3A_241 = arith.addi %scan3A_231, %add3A_240 : i32
        %mul3A_242 = arith.constant 8 : i32
        %mul3A_243 = arith.muli %scan3A_105, %mul3A_242 : i32
        %swap3A_244 = arith.index_cast %add3A_241 : i32 to index
        %swap3A_245 = arith.index_cast %mul3A_243 : i32 to index
        %swap3A_246 = tpu.vector_load %arg12[%swap3A_244, %swap3A_245] masked %not3A_188 {strides = array<i32>} : memref<32x136xf32, #tpu.memory_space<vmem>>, vector<16xf32>, vector<16xi1>
        tpu.vector_store %arg12[%swap3A_244, %swap3A_245], %gather3A_235 masked %not3A_188 {strides = array<i32>} : memref<32x136xf32, #tpu.memory_space<vmem>>, vector<16xf32>, vector<16xi1>
        %scan3A_247 = arith.constant 0 : i32
        scf.yield %scan3A_247 : i32
      }
      %scan3A_229 = arith.constant 16 : i32
      %scan3A_230 = arith.constant 0 : i32
      scf.yield %scan3A_230 : i32
    }
    %scan3A_90 = arith.constant 16 : i32
    %scan3A_91 = arith.constant 0 : i32
    %scan3A_92 = arith.constant 0 : i32
    %scan3A_93 = arith.constant 128 : i32
    %scan3A_94 = arith.addi %scan3A_92, %scan3A_93 : i32
    %scan3A_95 = arith.constant 1 : i32
    %scan3A_96 = scf.for %scan3A_105 = %scan3A_92 to %scan3A_94 step %scan3A_95 iter_args(%scan3A_106 = %scan3A_91) -> (i32)  : i32 {
      %dma_wait3A = arith.constant 0 : i32
      %dma_wait3A_107 = arith.constant 0 : i32
      %dma_wait3A_108 = tpu.memref_slice %arg13[%dma_wait3A, %dma_wait3A_107] : memref<128x128xf32, #tpu.memory_space<vmem>> -> memref<1x128xf32, #tpu.memory_space<vmem>>
      %dma_wait3A_109 = arith.constant 0 : i32
      %dma_wait3A_110 = arith.constant 0 : i32
      %dma_wait3A_111 = tpu.memref_slice %arg3[%dma_wait3A_109, %dma_wait3A_110] : memref<1x1102000xf32, #tpu.memory_space<hbm>> -> memref<1x128xf32, #tpu.memory_space<hbm>>
      %dma_wait3A_112 = arith.constant 0 : i32
      %dma_wait3A_113 = arith.constant 0 : i32
      %dma_wait3A_114 = tpu.memref_slice %arg13[%dma_wait3A_112, %dma_wait3A_113] : memref<128x128xf32, #tpu.memory_space<vmem>> -> memref<1x128xf32, #tpu.memory_space<vmem>>
      %dma_wait3A_115 = arith.constant 0 : i32
      %dma_wait3A_116 = arith.constant 0 : i32
      %dma_wait3A_117 = tpu.memref_slice %arg3[%dma_wait3A_115, %dma_wait3A_116] : memref<1x1102000xf32, #tpu.memory_space<hbm>> -> memref<1x128xf32, #tpu.memory_space<hbm>>
      tpu.wait_dma2 semaphore(%arg17 : memref<!tpu.dma_semaphore, #tpu.memory_space<semaphore_mem>>) src(%dma_wait3A_117 : memref<1x128xf32, #tpu.memory_space<hbm>>) dst(%dma_wait3A_114 : memref<1x128xf32, #tpu.memory_space<vmem>>)
      %scan3A_118 = arith.constant 0 : i32
      scf.yield %scan3A_118 : i32
    }
    %scan3A_97 = arith.constant 128 : i32
    %scan3A_98 = arith.constant 0 : i32
    %scan3A_99 = arith.constant 0 : i32
    %scan3A_100 = arith.constant 8 : i32
    %scan3A_101 = arith.addi %scan3A_99, %scan3A_100 : i32
    %scan3A_102 = arith.constant 1 : i32
    %scan3A_103 = scf.for %scan3A_105 = %scan3A_99 to %scan3A_101 step %scan3A_102 iter_args(%scan3A_106 = %scan3A_98) -> (i32)  : i32 {
      %mul3A_107 = arith.constant 16 : i32
      %mul3A_108 = arith.muli %scan3A_105, %mul3A_107 : i32
      %get3A_109 = arith.index_cast %mul3A_108 : i32 to index
      %get3A_110 = tpu.vector_load %arg10[%get3A_109] {strides = array<i32>} : memref<136xi32, #tpu.memory_space<vmem>>, vector<16xi32>,
      %mul3A_111 = arith.constant 16 : i32
      %mul3A_112 = arith.muli %scan3A_105, %mul3A_111 : i32
      %add3A_113 = vector.broadcast %mul3A_112 : i32 to vector<16xi32>
      %add3A_114 = arith.addi %add3A_113, %iota3A : vector<16xi32>
      %jit3A_115 = arith.constant 128 : i32
      %eq3A_116 = arith.constant 0 : i32
      %eq3A_117 = arith.cmpi eq, %jit3A_115, %eq3A_116 : i32
      %jit3A_118 = arith.constant 1 : i32
      %select_n3A_119 = arith.select %eq3A_117, %jit3A_118, %jit3A_115 : i32
      %rem3A_120 = vector.broadcast %select_n3A_119 : i32 to vector<16xi32>
      %rem3A_121 = arith.remsi %get3A_110, %rem3A_120 : vector<16xi32>
      %ne3A_122 = arith.constant 0 : i32
      %ne3A_123 = vector.broadcast %ne3A_122 : i32 to vector<16xi32>
      %ne3A_124 = arith.cmpi ne, %rem3A_121, %ne3A_123 : vector<16xi32>
      %lt3A_125 = arith.constant 0 : i32
      %lt3A_126 = vector.broadcast %lt3A_125 : i32 to vector<16xi32>
      %lt3A_127 = arith.cmpi slt, %rem3A_121, %lt3A_126 : vector<16xi32>
      %lt3A_128 = arith.constant 0 : i32
      %lt3A_129 = arith.cmpi slt, %select_n3A_119, %lt3A_128 : i32
      %ne3A_130 = vector.broadcast %lt3A_129 : i1 to vector<16xi1>
      %ne3A_131 = vector.broadcast %ne3A_130 : vector<16xi1> to vector<16xi1>
      %ne3A_132 = arith.xori %lt3A_127, %ne3A_131 : vector<16xi1>
      %and3A_133 = arith.andi %ne3A_132, %ne3A_124 : vector<16xi1>
      %add3A_134 = vector.broadcast %select_n3A_119 : i32 to vector<16xi32>
      %add3A_135 = arith.addi %rem3A_121, %add3A_134 : vector<16xi32>
      %select_n3A_136 = arith.select %and3A_133, %add3A_135, %rem3A_121 : vector<16xi1>, vector<16xi32>
      %gather3A = tpu.vector_load_idx %arg13[%add3A_114, %select_n3A_136] : memref<128x128xf32, #tpu.memory_space<vmem>>[vector<16xi32>, vector<16xi32>], vector<16xf32>,
      %mul3A_137 = arith.constant 16 : i32
      %mul3A_138 = arith.muli %scan3A_105, %mul3A_137 : i32
      %swap3A = arith.constant 0 : i32
      %swap3A_139 = arith.index_cast %swap3A : i32 to index
      %swap3A_140 = arith.index_cast %mul3A_138 : i32 to index
      %swap3A_141 = tpu.vector_load %arg14[%swap3A_139, %swap3A_140] {strides = array<i32>} : memref<1x128xf32, #tpu.memory_space<vmem>>, vector<16xf32>,
      tpu.vector_store %arg14[%swap3A_139, %swap3A_140], %gather3A {strides = array<i32>} : memref<1x128xf32, #tpu.memory_space<vmem>>, vector<16xf32>,
      %scan3A_142 = arith.constant 0 : i32
      scf.yield %scan3A_142 : i32
    }
    %scan3A_104 = arith.constant 8 : i32
    "tpu.region"() ({
      %run_scoped3A = tpu.sem_alloc : memref<!tpu.dma_semaphore, #tpu.memory_space<semaphore_mem>>
      %dma_start3A = arith.constant 0 : i32
      %dma_start3A_105 = arith.constant 0 : i32
      %dma_start3A_106 = tpu.memref_slice %arg12[%dma_start3A, %dma_start3A_105] : memref<32x136xf32, #tpu.memory_space<vmem>> -> memref<32x128xf32, #tpu.memory_space<vmem>>
      %dma_start3A_107 = arith.constant 0 : i32
      %dma_start3A_108 = tpu.memref_slice %arg8[%dma_start3A_107, %mul3A_2] : memref<32x4096xf32, #tpu.memory_space<hbm>> -> memref<32x128xf32, #tpu.memory_space<hbm>>
      %dma_start3A_109 = arith.constant 0 : i32
      %dma_start3A_110 = tpu.memref_slice %arg8[%dma_start3A_109, %mul3A_2] : memref<32x4096xf32, #tpu.memory_space<hbm>> -> memref<32x128xf32, #tpu.memory_space<hbm>>
      %dma_start3A_111 = arith.constant 0 : i32
      %dma_start3A_112 = arith.constant 0 : i32
      %dma_start3A_113 = tpu.memref_slice %arg12[%dma_start3A_111, %dma_start3A_112] : memref<32x136xf32, #tpu.memory_space<vmem>> -> memref<32x128xf32, #tpu.memory_space<vmem>>
      tpu.enqueue_dma source(%dma_start3A_113 : memref<32x128xf32, #tpu.memory_space<vmem>>) target(%dma_start3A_110 : memref<32x128xf32, #tpu.memory_space<hbm>>) target_semaphore(%run_scoped3A : memref<!tpu.dma_semaphore, #tpu.memory_space<semaphore_mem>>)
      %dma_wait3A = arith.constant 0 : i32
      %dma_wait3A_114 = arith.constant 0 : i32
      %dma_wait3A_115 = tpu.memref_slice %arg12[%dma_wait3A, %dma_wait3A_114] : memref<32x136xf32, #tpu.memory_space<vmem>> -> memref<32x128xf32, #tpu.memory_space<vmem>>
      %dma_wait3A_116 = arith.constant 0 : i32
      %dma_wait3A_117 = tpu.memref_slice %arg8[%dma_wait3A_116, %mul3A_2] : memref<32x4096xf32, #tpu.memory_space<hbm>> -> memref<32x128xf32, #tpu.memory_space<hbm>>
      %dma_wait3A_118 = arith.constant 0 : i32
      %dma_wait3A_119 = tpu.memref_slice %arg8[%dma_wait3A_118, %mul3A_2] : memref<32x4096xf32, #tpu.memory_space<hbm>> -> memref<32x128xf32, #tpu.memory_space<hbm>>
      %dma_wait3A_120 = arith.constant 0 : i32
      %dma_wait3A_121 = arith.constant 0 : i32
      %dma_wait3A_122 = tpu.memref_slice %arg12[%dma_wait3A_120, %dma_wait3A_121] : memref<32x136xf32, #tpu.memory_space<vmem>> -> memref<32x128xf32, #tpu.memory_space<vmem>>
      tpu.wait_dma2 semaphore(%run_scoped3A : memref<!tpu.dma_semaphore, #tpu.memory_space<semaphore_mem>>) src(%dma_wait3A_122 : memref<32x128xf32, #tpu.memory_space<vmem>>) dst(%dma_wait3A_119 : memref<32x128xf32, #tpu.memory_space<hbm>>)
      tpu.yield
    }) : () -> ()
    "tpu.region"() ({
      %run_scoped3A = tpu.sem_alloc : memref<!tpu.dma_semaphore, #tpu.memory_space<semaphore_mem>>
      %dma_start3A = arith.constant 0 : i32
      %dma_start3A_105 = tpu.memref_slice %arg9[%dma_start3A, %mul3A_2] : memref<1x4096xf32, #tpu.memory_space<hbm>> -> memref<1x128xf32, #tpu.memory_space<hbm>>
      %dma_start3A_106 = arith.constant 0 : i32
      %dma_start3A_107 = tpu.memref_slice %arg9[%dma_start3A_106, %mul3A_2] : memref<1x4096xf32, #tpu.memory_space<hbm>> -> memref<1x128xf32, #tpu.memory_space<hbm>>
      tpu.enqueue_dma source(%arg14 : memref<1x128xf32, #tpu.memory_space<vmem>>) target(%dma_start3A_107 : memref<1x128xf32, #tpu.memory_space<hbm>>) target_semaphore(%run_scoped3A : memref<!tpu.dma_semaphore, #tpu.memory_space<semaphore_mem>>)
      %dma_wait3A = arith.constant 0 : i32
      %dma_wait3A_108 = tpu.memref_slice %arg9[%dma_wait3A, %mul3A_2] : memref<1x4096xf32, #tpu.memory_space<hbm>> -> memref<1x128xf32, #tpu.memory_space<hbm>>
      %dma_wait3A_109 = arith.constant 0 : i32
      %dma_wait3A_110 = tpu.memref_slice %arg9[%dma_wait3A_109, %mul3A_2] : memref<1x4096xf32, #tpu.memory_space<hbm>> -> memref<1x128xf32, #tpu.memory_space<hbm>>
      tpu.wait_dma2 semaphore(%run_scoped3A : memref<!tpu.dma_semaphore, #tpu.memory_space<semaphore_mem>>) src(%arg14 : memref<1x128xf32, #tpu.memory_space<vmem>>) dst(%dma_wait3A_110 : memref<1x128xf32, #tpu.memory_space<hbm>>)
      tpu.yield
    }) : () -> ()
    return
  }
}

module attributes {stable_mosaic.version = 14 : i64} {
  func.func @_tc_body(%arg0: memref<32x4096xf32, #tpu.memory_space<vmem>>, %arg1: memref<1x4096xf32, #tpu.memory_space<vmem>>, %arg2: memref<1024x1024xf32, #tpu.memory_space<vmem>>) attributes {dimension_semantics = [], scalar_prefetch = 0 : i64, scratch_operands = 0 : i64, tpu.core_type = #tpu.core_type<tc>} {
    %get3A = arith.constant 0 : index
    %get3A_0 = arith.constant 0 : index
    %get3A_1 = vector.load %arg0[%get3A, %get3A_0] : memref<32x4096xf32, #tpu.memory_space<vmem>>, vector<32x1024xf32>
    %get3A_2 = arith.constant 0 : index
    %get3A_3 = arith.constant 1024 : index
    %get3A_4 = vector.load %arg0[%get3A_2, %get3A_3] : memref<32x4096xf32, #tpu.memory_space<vmem>>, vector<32x1024xf32>
    %get3A_5 = arith.constant 0 : index
    %get3A_6 = arith.constant 2048 : index
    %get3A_7 = vector.load %arg0[%get3A_5, %get3A_6] : memref<32x4096xf32, #tpu.memory_space<vmem>>, vector<32x1024xf32>
    %get3A_8 = arith.constant 0 : index
    %get3A_9 = arith.constant 3072 : index
    %get3A_10 = vector.load %arg0[%get3A_8, %get3A_9] : memref<32x4096xf32, #tpu.memory_space<vmem>>, vector<32x1024xf32>
    %add3A = arith.addf %get3A_1, %get3A_4 : vector<32x1024xf32>
    %add3A_11 = arith.addf %add3A, %get3A_7 : vector<32x1024xf32>
    %mul3A = arith.mulf %get3A_1, %get3A_4 : vector<32x1024xf32>
    %mul3A_12 = arith.mulf %get3A_1, %get3A_7 : vector<32x1024xf32>
    %add3A_13 = arith.addf %mul3A, %mul3A_12 : vector<32x1024xf32>
    %mul3A_14 = arith.mulf %get3A_4, %get3A_7 : vector<32x1024xf32>
    %add3A_15 = arith.addf %add3A_13, %mul3A_14 : vector<32x1024xf32>
    %reduce_sum3A = arith.constant dense<0.000000e+00> : vector<1024xf32>
    %reduce_sum3A_16 = vector.multi_reduction <add>, %add3A_15, %reduce_sum3A [0] : vector<32x1024xf32> to vector<1024xf32>
    %get3A_17 = arith.constant 0 : index
    %get3A_18 = arith.constant 0 : index
    %get3A_19 = vector.load %arg1[%get3A_17, %get3A_18] : memref<1x4096xf32, #tpu.memory_space<vmem>>, vector<1x1024xf32>
    %get3A_20 = vector.shape_cast %get3A_19 : vector<1x1024xf32> to vector<1024xf32>
    %get3A_21 = arith.constant 0 : index
    %get3A_22 = arith.constant 1024 : index
    %get3A_23 = vector.load %arg1[%get3A_21, %get3A_22] : memref<1x4096xf32, #tpu.memory_space<vmem>>, vector<1x1024xf32>
    %get3A_24 = vector.shape_cast %get3A_23 : vector<1x1024xf32> to vector<1024xf32>
    %add3A_25 = arith.addf %get3A_20, %get3A_24 : vector<1024xf32>
    %get3A_26 = arith.constant 0 : index
    %get3A_27 = arith.constant 2048 : index
    %get3A_28 = vector.load %arg1[%get3A_26, %get3A_27] : memref<1x4096xf32, #tpu.memory_space<vmem>>, vector<1x1024xf32>
    %get3A_29 = vector.shape_cast %get3A_28 : vector<1x1024xf32> to vector<1024xf32>
    %add3A_30 = arith.addf %add3A_25, %get3A_29 : vector<1024xf32>
    %get3A_31 = arith.constant 0 : index
    %get3A_32 = arith.constant 3072 : index
    %get3A_33 = vector.load %arg1[%get3A_31, %get3A_32] : memref<1x4096xf32, #tpu.memory_space<vmem>>, vector<1x1024xf32>
    %get3A_34 = vector.shape_cast %get3A_33 : vector<1x1024xf32> to vector<1024xf32>
    %dot_general3A = arith.constant dense<0.000000e+00> : vector<1024x1024xf32>
    %dot_general3A_35 = tpu.matmul %add3A_11, %get3A_10, %dot_general3A {dimension_numbers = #tpu.dot_dimension_numbers<[0], [0], [1], [1], [0, 1, 1, 1], [], []>, transpose_lhs_hint = false} : vector<32x1024xf32>, vector<32x1024xf32>, vector<1024x1024xf32> -> vector<1024x1024xf32>
    %add3A_36 = arith.addf %reduce_sum3A_16, %add3A_30 : vector<1024xf32>
    %broadcast_in_dim3A = vector.shape_cast %add3A_36 : vector<1024xf32> to vector<1024x1xf32>
    %add3A_37 = vector.broadcast %broadcast_in_dim3A : vector<1024x1xf32> to vector<1024x1024xf32>
    %add3A_38 = arith.addf %dot_general3A_35, %add3A_37 : vector<1024x1024xf32>
    %broadcast_in_dim3A_39 = vector.shape_cast %get3A_34 : vector<1024xf32> to vector<1x1024xf32>
    %add3A_40 = vector.broadcast %broadcast_in_dim3A_39 : vector<1x1024xf32> to vector<1024x1024xf32>
    %add3A_41 = arith.addf %add3A_38, %add3A_40 : vector<1024x1024xf32>
    %swap3A = arith.constant 0 : index
    %swap3A_42 = arith.constant 0 : index
    %swap3A_43 = vector.load %arg2[%swap3A, %swap3A_42] : memref<1024x1024xf32, #tpu.memory_space<vmem>>, vector<1024x1024xf32>
    tpu.vector_store %arg2[%swap3A, %swap3A_42], %add3A_41 {strides = array<i32>} : memref<1024x1024xf32, #tpu.memory_space<vmem>>, vector<1024x1024xf32>,
    return
  }
}

</mosaic_0001>

<sc_bundles>
// kernel: kernel.4.cloned.1.call-start
scs
__scs_entry_jumppad:
0x0: {  	(pc) =	sbr.rel $0x88, $3  }
0x1: {  	(tag) =	ssettag $0x0;
	lr =	simm.s32 $0x1  }
0x2: {  	[smem:$0x3F9B] =	sst lr;
	_ =	strace $0xD0000000  }
0x3: {  	_ = 	snop  }
0x4: {  	_ = 	snop  }
0x5: {  	_ = 	snop  }
0x6: {  	_ = 	snop  }
0x7: {  	_ = 	snop  }
__scs_overlays_trampoline_lowered:
0x8: {  	[smem:$0x3FAA] =	sst s0  }
0x9: {  	[smem:$0x3FAB] =	sst s1  }
0xa: {  	[smem:$0x3FAC] =	sst s2  }
0xb: {  	[smem:$0x3FAD] =	sst s3  }
0xc: {  	[smem:$0x3FAE] =	sst s4  }
0xd: {  	[smem:$0x3FAF] =	sst s5  }
0xe: {  	[smem:$0x3FB0] =	sst s6  }
0xf: {  	[smem:$0x3FB1] =	sst s7  }
0x10: {  	[smem:$0x3FB2] =	sst s8  }
0x11: {  	[smem:$0x3FB3] =	sst s9;
	s0 =	simm.s32 @!p0 $0x0  }
0x12: {  	s1 =	sld [smem:$0x3F99];
	s0 =	simm.s32 @p0 $0x1  }
0x13: {  	[smem:$0x3FB4] =	sst s0;
	s0 =	simm.s32 @!p1 $0x0  }
0x14: {  	s2 =	sld [smem:$0x3F98];
	s0 =	simm.s32 @p1 $0x1  }
0x15: {  	[smem:$0x3FB5] =	sst s0;
	s0 =	simm.s32 @!p2 $0x0  }
0x16: {  	s3 =	sld [smem:$0x3FDB];
	s0 =	simm.s32 @p2 $0x1  }
0x17: {  	s4 =	simm.s32 $0x1BF5;
	[smem:$0x3FB7] =	sst s0  }
0x18: {  	s0 =	sld [smem:$0x3F9A];
	_ =	swait.ge [sflag:s4], $0x0  }
0x19: {  	s7 =	sld [smem:$0x3F9B]  }
0x1a: {  	s8 =	sadd.s32 $0xFFFFE003, lr  }
0x1b: {  	s9 =	sadd.s32 $0xFFFFFEF7, lr;
	s5 =	simm.s32 $0xFFFFFFFF;
	p2 =	slt.u32 s8, $0xFFFFF086  }
0x1c: {  	p1 =	slt.u32 s9, $0xF7A;
	s5 =	simm.s32 @!p2 $0x0  }
0x1d: {  	s5 =	simm.s32 @p1 $0x1;
	p0 =	seq.s32 s7, s2  }
0x1e: {  	s7 =	smul.u32 @!p0 $0xF7A, s2;
	p2 =	seq.s32 @!p0 s5, $0x0  }
0x1f: {  	s9 =	smul.u32 $0xF7A, s1;
	s8 =	simm.s32 @!p0 $0x1BF5;
	p2 =	por !p2, p0  }
0x20: {  	[sflag:s8] =	ssyncset.s32 @!p0 $0xFFFFF086;
	s6 =	sadd.s32 @!p0 s3, s7;
	s7 =	simm.s32 @!p0 $0x108  }
0x21: {  	s3 =	sadd.s32 s3, s9;
	s6 =	sadd.s32 @!p0 $0x88, s6;
	s7 =	simm.s32 @p2 $0x1082  }
0x22: {  	[simem:s7], [sflag:s8] =	dma.local @!p0 [hbm:s6], $0xF7A  }
0x23: {  	s9 =	sor.u32 $0xD0000000, s2;
	s6 =	simm.s32 $0x108;
	_ =	swait.ge @!p0 [sflag:s8], $0x0  }
0x24: {  	s3 =	sadd.s32 $0x88, s3;
	s6 =	simm.s32 @!p1 $0x1082;
	[sflag:s4] =	ssyncset.s32 $0xFFFFF086  }
0x25: {  	[simem:s6], [sflag:s4] =	dma.local [hbm:s3], $0xF7A  }
0x26: {  	[smem:$0x3F9B] =	sst s1;
	(tag) =	ssettag s2;
	_ =	strace s9  }
0x27: {  	s1 =	sld [smem:$0x3FAB]  }
0x28: {  	s2 =	sld [smem:$0x3FAC]  }
0x29: {  	s4 =	sld [smem:$0x3FAE]  }
0x2a: {  	p0 =	seq.s32 s5, $0x0;
	s5 =	sld [smem:$0x3FAF]  }
0x2b: {  	s6 =	sld [smem:$0x3FB0]  }
0x2c: {  	s7 =	sld [smem:$0x3FB1]  }
0x2d: {  	s3 =	simm.s32 $0x108;
	s8 =	sld [smem:$0x3FB2]  }
0x2e: {  	s3 =	simm.s32 @!p0 $0x1082;
	s9 =	sld [smem:$0x3FB3]  }
0x2f: {  	lr =	sadd.s32 s0, s3;
	s0 =	sld [smem:$0x3FAA]  }
0x30: {  	s3 =	sld [smem:$0x3FAD]  }
0x31: {  	[smem:$0x3FB6] =	sst s10  }
0x32: {  	s10 =	sld [smem:$0x3FB4];
	_ =	sdelay $0x3  }
0x33: {  	p0 =	seq.s32 s10, $0x1;
	s10 =	sld [smem:$0x3FB6];
	_ =	sdelay $0x3  }
0x34: {  	[smem:$0x3FB6] =	sst s10  }
0x35: {  	s10 =	sld [smem:$0x3FB5];
	_ =	sdelay $0x3  }
0x36: {  	p1 =	seq.s32 s10, $0x1;
	s10 =	sld [smem:$0x3FB6];
	_ =	sdelay $0x3  }
0x37: {  	[smem:$0x3FB6] =	sst s10  }
0x38: {  	s10 =	sld [smem:$0x3FB7]  }
0x39: {  	_ = 	snop;
	(pc) =	sbr.ind lr, $3  }
0x3a: {  	_ = 	snop  }
0x3b: {  	_ = 	snop  }
0x3c: {  	p2 =	seq.s32 s10, $0x1;
	s10 =	sld [smem:$0x3FB6]  }
0x3d: {  	_ =	shalt  }
0x3e: {  	_ =	shalt  }
0x3f: {  	_ =	shalt  }
0x40: {  	_ =	shalt  }
0x41: {  	_ =	shalt  }
0x42: {  	_ =	shalt  }
0x43: {  	_ =	shalt  }
0x44: {  	_ =	shalt  }
0x45: {  	_ =	shalt  }
0x46: {  	_ =	shalt  }
0x47: {  	_ =	shalt  }
0x48: {  	_ =	shalt  }
0x49: {  	_ =	shalt  }
0x4a: {  	_ =	shalt  }
0x4b: {  	_ =	shalt  }
0x4c: {  	_ =	shalt  }
0x4d: {  	_ =	shalt  }
0x4e: {  	_ =	shalt  }
0x4f: {  	_ =	shalt  }
0x50: {  	_ =	shalt  }
0x51: {  	_ =	shalt  }
0x52: {  	_ =	shalt  }
0x53: {  	_ =	shalt  }
0x54: {  	_ =	shalt  }
0x55: {  	_ =	shalt  }
0x56: {  	_ =	shalt  }
0x57: {  	_ =	shalt  }
0x58: {  	_ =	shalt  }
0x59: {  	_ =	shalt  }
0x5a: {  	_ =	shalt  }
0x5b: {  	_ =	shalt  }
0x5c: {  	_ =	shalt  }
0x5d: {  	_ =	shalt  }
0x5e: {  	_ =	shalt  }
0x5f: {  	_ =	shalt  }
0x60: {  	_ =	shalt  }
0x61: {  	_ =	shalt  }
0x62: {  	_ =	shalt  }
0x63: {  	_ =	shalt  }
0x64: {  	_ =	shalt  }
0x65: {  	_ =	shalt  }
0x66: {  	_ =	shalt  }
0x67: {  	_ =	shalt  }
0x68: {  	_ =	shalt  }
0x69: {  	_ =	shalt  }
0x6a: {  	_ =	shalt  }
0x6b: {  	_ =	shalt  }
0x6c: {  	_ =	shalt  }
0x6d: {  	_ =	shalt  }
0x6e: {  	_ =	shalt  }
0x6f: {  	_ =	shalt  }
0x70: {  	_ =	shalt  }
0x71: {  	_ =	shalt  }
0x72: {  	_ =	shalt  }
0x73: {  	_ =	shalt  }
0x74: {  	_ =	shalt  }
0x75: {  	_ =	shalt  }
0x76: {  	_ =	shalt  }
0x77: {  	_ =	shalt  }
0x78: {  	_ =	shalt  }
0x79: {  	_ =	shalt  }
0x7a: {  	_ =	shalt  }
0x7b: {  	_ =	shalt  }
0x7c: {  	_ =	shalt  }
0x7d: {  	_ =	shalt  }
0x7e: {  	_ =	shalt  }
0x7f: {  	_ =	shalt  }
0x80: {  	_ =	shalt  }
0x81: {  	_ =	shalt  }
0x82: {  	_ =	shalt  }
0x83: {  	_ =	shalt  }
0x84: {  	_ =	shalt  }
0x85: {  	_ =	shalt  }
0x86: {  	_ =	shalt  }
0x87: {  	_ =	shalt  }
.Lfunc_end0:
.L_simem_size_0:
called_computation_lowered:
.L_overlay_start_0:
0x88: {  	s2 =	sld [smem:$0x3FD9]  }
0x89: {  	s3 =	sld [smem:$0x3FFE];
	_ =	sdelay $0x1  }
0x8a: {  	s1 =	srdreg.scid  }
0x8b: {  	s0 =	sand.u32 $0x1, s1  }
0x8c: {  	s17 =	sshll.u32 s0, $0xA;
	s2 =	sadd.s32 s3, s2  }
0x8d: {  	s2 =	sadd.s32 s2, s17  }
0x8e: {  	[smem:$0x3FC2] =	sst s2  }
0x8f: {  	_ = 	snop  }
0x90: {  	s2 =	sld [smem:$0x3FC9]  }
0x91: {  	s18 =	sld [smem:$0x3FC8]  }
0x92: {  	s4 =	sld [smem:$0x3FC7]  }
0x93: {  	s5 =	sld [smem:$0x3FC6]  }
0x94: {  	s6 =	sld [smem:$0x3FC5]  }
0x95: {  	s7 =	sld [smem:$0x3FC4]  }
0x96: {  	s8 =	sld [smem:$0x3FD0];
	(tm) =	ssettm $0x1  }
0x97: {  	s9 =	sld [smem:$0x3FFB];
	_ =	sdelay $0x3  }
0x98: {  	_ =	strace s9  }
0x99: {  	s9 =	sld [smem:$0x3FFC];
	_ =	sdelay $0x3  }
0x9a: {  	_ =	strace s9  }
0x9b: {  	s9 =	sld [smem:$0x3FFD];
	_ =	sdelay $0x3  }
0x9c: {  	_ =	strace s9  }
0x9d: {  	_ =	strace $0x8FFFFFFF  }
0x9e: {  	s19 =	sld [smem:$0x3FDB];
	_ =	sdelay $0x1  }
0x9f: {  	s10 =	simm.s32 $_scs_section_size  }
0xa0: {  	s11 =	simm.s32 $_size__tile_overlayer_lowered;
	s12 =	simm.s32 $_tile_overlayer_lowered  }
0xa1: {  	s22 =	simm.s32 $0x1BFF;
	s21 =	sshll.u32 s12, $0x1;
	s9 =	sadd.s32 s10, s19  }
0xa2: {  	s13 =	simm.s32 $0x0;
	s20 =	sshll.u32 s11, $0x1;
	s11 =	sadd.s32 s21, s9  }
0xa3: {  	[timem:s13], [sflag:s22] =	dma.local [hbm:s11], s20  }
0xa4: {  	_ =	swait.ge [sflag:s22], s20  }
0xa5: {  	s10 =	ssub.s32 $0x0, s20;
	[sflag:s22] =	ssyncset.done $0x0  }
0xa6: {  	[sflag:s22] =	ssyncadd.s32 s10;
	_ =	sdelay $0x1  }
0xa7: {  	s23 =	simm.s32 $0x1B8B  }
0xa8: {  	_ =	swait.ge [sflag:s23], $0x1  }
0xa9: {  	[sflag:s23] =	ssyncset.done $0x0  }
0xaa: {  	s25 =	simm.s32 $0x1B8E;
	s24 =	sld [smem:$0x3FFE];
	[sflag:s23] =	ssyncadd.s32 $0xFFFFFFFF  }
0xab: {  	s26 =	simm.s32 $execute0_lowered;
	[smem:$0x3FD2] =	sst s25  }
0xac: {  	s11 =	sshll.u32 s26, $0x1;
	_ =	strace $0x80000046;
	[dreg:$0x1] =	wrdreg $0xFFFFFFFF  }
0xad: {  	s28 =	simm.s32 $_size_execute0_lowered;
	s9 =	sadd.s32 s9, s11;
	[dreg:$0x0] =	wrdreg $0x0  }
0xae: {  	s11 =	sshll.u32 s28, $0x1;
	[dreg:$0x2] =	wrdreg s9  }
0xaf: {  	[dreg:$0x3] =	wrdreg s11  }
0xb0: {  	[dreg:$0x4] =	wrdreg $0xC0  }
0xb1: {  	_ =	task [dreg:s13], $0x5FFFF  }
0xb2: {  	[dreg:$0x1] =	wrdreg $0xFFFFFFFF  }
0xb3: {  	[dreg:$0x0] =	wrdreg $0x60  }
0xb4: {  	[dreg:$0x2] =	wrdreg s6  }
0xb5: {  	[dreg:$0x3] =	wrdreg s7  }
0xb6: {  	[dreg:$0x4] =	wrdreg s2  }
0xb7: {  	[dreg:$0x5] =	wrdreg s4  }
0xb8: {  	[dreg:$0x6] =	wrdreg s5  }
0xb9: {  	[dreg:$0x7] =	wrdreg s18  }
0xba: {  	[dreg:$0x8] =	wrdreg s8  }
0xbb: {  	[dreg:$0x9] =	wrdreg s24  }
0xbc: {  	[dreg:$0xa] =	wrdreg $0x9  }
0xbd: {  	_ =	task.clear_ibuf [dreg:s13], $0xBFFFF;
	_ =	strace $0x90000046  }
0xbe: {  	s29 =	simm.s32 $0x9;
	_ =	strace $0x80000048  }
0xbf: {  	_ =	swait.ge [sflag:s29], $0x1  }
0xc0: {  	[sflag:s29] =	ssyncadd.s32 $0xFFFFFFFF  }
0xc1: {  	_ =	strace $0x90000048  }
0xc2: {  	_ =	sfence  }
0xc3: {  	s30 =	sld [smem:$0x0];
	_ =	sdelay $0x2  }
0xc4: {  	s31 =	sshll.u32 s1, $0xD;
	s1 =	sshrl.u32 s1, $0x2  }
0xc5: {  	s3 =	sand.u32 $0x4000, s31;
	s1 =	sadd.s32 s1, s30  }
0xc6: {  	s0 =	sor.u32 s3, s0;
	s1 =	sshll.u32 s1, $0x11  }
0xc7: {  	s0 =	sor.u32 s1, s0  }
0xc8: {  	s0 =	sadd.s32 $0x8F2B, s0  }
0xc9: {  	[sflag:s0] =	ssyncadd.remote.s32 $0x1  }
0xca: {  	_ =	sfence.sel $0xFFFF  }
0xcb: {  	[dreg:$0x0] =	wrdreg $0xFFFFFFFF;
	(pc) =	sbr.abs _section_cstart, $3  }
0xcc: {  	[dreg:$0x1] =	wrdreg $0xFFFFFFFF  }
0xcd: {  	_ =	task.clear_ibuf [dreg:s13], $0x2FFFF;
	_ =	strace $0x9FFFFFFF  }
0xce: {  	(tm) =	ssettm $0x7FFFFFFF  }
0xcf: {  	_ =	shalt  }
tec
execute0_lowered:
.L_overlay_start_1:
0x0: {  	(tag) =	ssettag $0x1  }
0x1: {  	s0 =	rddreg [dreg:$0x0]  }
0x2: {  	s1 =	rddreg [dreg:$0x1]  }
0x3: {  	s2 =	rddreg [dreg:$0x2]  }
0x4: {  	s6 =	rddreg [dreg:$0x3]  }
0x5: {  	s7 =	rddreg [dreg:$0x4]  }
0x6: {  	s8 =	rddreg [dreg:$0x5]  }
0x7: {  	s9 =	rddreg [dreg:$0x6]  }
0x8: {  	s10 =	rddreg [dreg:$0x7]  }
0x9: {  	s5 =	srdreg.scid;
	s3 =	stileid.u32  }
0xa: {  	s4 =	simm.s32 $0x0;
	s15 =	simm.s32 $0x12100;
	s18 =	simm.s32 $0x11100  }
0xb: {  	s19 =	simm.s32 $0x11900;
	s20 =	simm.s32 $0x16100;
	s21 =	simm.s32 $0x0  }
0xc: {  	s11 =	sand.u32 $0x1, s5;
	s31 =	sshll.u32 s3, $0x1;
	[smem:$0x7FF] =	sst s4  }
0xd: {  	s5 =	sshrl.u32 s3, $0x2;
	s12 =	sor.u32 s11, s31;
	_ =	strace $0x80000047  }
0xe: {  	s11 =	ssub.s32 $0x2, s11;
	p0 =	sgt.s32 s5, $0x1;
	s13 =	sshll.u32 s12, $0x4  }
0xf: {  	s14 =	sshrl.u32 s11, $0x1;
	p1 =	seq.s32 @p0 s5, $0x2;
	p2 =	seq.s32 @!p0 s5, $0x0  }
0x10: {  	s12 =	sshll.u32 s12, $0x7;
	s10 =	sadd.s32 s13, s10;
	s11 =	ssub.s32 s11, s14  }
0x11: {  	p1 =	por !p1, !p0;
	p2 =	por !p2, p0;
	s13 =	sand.u32 $0x70, s13  }
0x12: {  	s14 =	simm.s32 $0x3;
	s3 =	simm.s32 @!p1 $0x0;
	s7 =	smov.u32 @p1 s8  }
0x13: {  	s2 =	smov.u32 @p2 s6;
	s6 =	sadd.s32 s9, s12;
	s3 =	simm.s32 @p1 $0x1  }
0x14: {  	s8 =	smax.u32 s11, $0x1;
	[smem:$0x7FB] =	sst s3;
	s3 =	simm.s32 @!p2 $0x0  }
0x15: {  	v0 =	vlaneseq.u32;
	s11 =	simm.s32 $0x400;
	s12 =	simm.s32 $0x868800;
	s3 =	simm.s32 @p2 $0x1  }
0x16: {  	v3 =	vshrl.u32 v0, $0x3;
	s2 =	smov.u32 @p0 s7;
	[smem:$0x7FC] =	sst s3;
	s3 =	simm.s32 @!p0 $0x0  }
0x17: {  	v1 =	vand.u32 $0x7, v0;
	v3 =	vmul.u32 $0x800, v3;
	s7 =	sadd.s32 $0xC00, s10;
	s10 =	simm.s32 $0x4;
	s3 =	simm.s32 @p0 $0x1  }
0x18: {  	vm0 =	vcmask $0x3F20;
	v4 =	vmul.u32 $0x80, v0;
	v2 =	vmul.u32 $0x1000, v1;
	s9 =	sadd.s32 s2, s13;
	s13 =	simm.s32 $0x100;
	[smem:$0x7FD] =	sst s3  }
.LBB2_1:
0x19: {  	s2 =	sld [smem:$0x7FB];
	_ =	sdelay $0x1  }
0x1a: {  	s3 =	sld [smem:$0x7FC]  }
0x1b: {  	s31 =	sld [smem:$0x7FD];
	p0 =	seq.s32 s2, $0x1  }
0x1c: {  	s22 =	simm.s32 @!p0 $0x10CCC8  }
0x1d: {  	s2 =	smov.u32 s5;
	s22 =	simm.s32 @p0 $0xF4240;
	p0 =	seq.s32 s3, $0x1  }
0x1e: {  	s2 =	simm.s32 @p0 $0x10C8E0;
	p0 =	seq.s32 s31, $0x1  }
0x1f: {  	s2 =	smov.u32 @p0 s22;
	s22 =	simm.s32 $0x0  }
0x20: {  	[tilespmem:s22], [sflag:$0x4] =	stream.linear.gather [hbm4b:s9+s22], $0x80, $0x38;
	[tilespmem:$0x16180] =	vst v63  }
0x21: {  	_ =	swait.ge [sflag:s10], $0x80  }
0x22: {  	[sflag:s10] =	ssyncset.done $0x0  }
0x23: {  	[sflag:s10] =	ssyncadd.s32 $0xFFFFFF80  }
0x24: {  	v5 =	vld [tilespmem:$0x0]  }
0x25: {  	v6 =	vld [tilespmem:$0x10]  }
0x26: {  	v7 =	vld [tilespmem:$0x20]  }
0x27: {  	v8 =	vld [tilespmem:$0x30]  }
0x28: {  	v9 =	vld [tilespmem:$0x40]  }
0x29: {  	v10 =	vld [tilespmem:$0x50]  }
0x2a: {  	v11 =	vld [tilespmem:$0x60];
	v6 =	vadd.s32 s2, v6  }
0x2b: {  	[tilespmem:$0x10] =	vst v6;
	v6 =	vadd.s32 s2, v7;
	v7 =	vld [tilespmem:$0x70]  }
0x2c: {  	[tilespmem:$0x20] =	vst v6;
	v6 =	vadd.s32 s2, v8  }
0x2d: {  	p2 =	por $0x0, $0x0;
	[tilespmem:$0x30] =	vst v6;
	v6 =	vadd.s32 s2, v9  }
.Ltmp0:
0x2e: {  	[tilespmem:$0x40] =	vst v6;
	v6 =	vadd.s32 s2, v10;
	(pc) =	sbr.rel @p2 .LBB2_2-.Ltmp0, $4  }
0x2f: {  	v63 =	vmov s22;
	[tilespmem:$0x50] =	vst v6;
	v6 =	vadd.s32 s2, v11  }
0x30: {  	s23 =	simm.s32 $0x100;
	vm1 =	veq.s32 v63, v0;
	v5 =	vadd.s32 s2, v5;
	[tilespmem:$0x60] =	vst v6;
	v6 =	vadd.s32 s2, v7  }
0x31: {  	s24 =	simm.s32 $0x12100;
	p3 =	por $0x0, $0x0;
	p4 =	por $0x0, $0x0;
	[tilespmem:$0x70] =	vst v6;
	v6 =	vnsel vm1, $0x0, v5  }
0x32: {  	p5 =	por $0x0, $0x0;
	p6 =	por $0x0, $0x0;
	[tilespmem:$0x0] =	vst v5;
	s2 =	simm.s32 $0x1;
	(xrf0) =	vadd.scan.msk.s32 $0xffff, v6  }
0x33: {  	_ = 	snop  }
0x34: {  	p2 =	por $0x0, $0x0  }
.Ltmp1:
0x35: {  	v6 =	vmov s2;
	(pc) =	sbr.rel @p2 .LBB2_4-.Ltmp1, $4  }
0x36: {  	_ = 	snop  }
0x37: {  	vm1 =	veq.s32 v6, v0  }
0x38: {  	v7 =	vnsel vm1, $0x0, v5;
	v6, _, _ =	vpop (xrf0)  }
0x39: {  	s2 =	simm.s32 $0x2;
	p3 =	por $0x1, $0x1;
	(xrf0) =	vadd.scan.msk.s32 $0xffff, v7;
	(v2sf) =	vpush v6, $0xF  }
0x3a: {  	_ = 	snop  }
0x3b: {  	p2 =	por $0x0, $0x0  }
.Ltmp2:
0x3c: {  	v6 =	vmov s2;
	(pc) =	sbr.rel @p2 .LBB2_6-.Ltmp2, $4  }
0x3d: {  	_ = 	snop  }
0x3e: {  	vm1 =	veq.s32 v6, v0  }
0x3f: {  	v7 =	vnsel vm1, $0x0, v5;
	v6, _, _ =	vpop (xrf0)  }
0x40: {  	s2 =	simm.s32 $0x3;
	p4 =	por $0x1, $0x1;
	(xrf0) =	vadd.scan.msk.s32 $0xffff, v7;
	(v2sf) =	vpush v6, $0xF  }
0x41: {  	_ =	sdelay $0x2  }
0x42: {  	v6 =	vmov s2;
	_ =	sdelay $0x2  }
0x43: {  	vm1 =	veq.s32 v6, v0;
	v6, _, _ =	vpop (xrf0)  }
0x44: {  	s25 =	spop (v2sf);
	(v2sf) =	vpush v6, $0xF;
	_ =	sdelay $0x6  }
0x45: {  	p0 =	por $0x0, $0x0  }
.Ltmp3:
0x46: {  	s28 =	sand.u32 $0x7F, s25;
	(pc) =	sbr.rel @p0 .LBB2_8-.Ltmp3, $4  }
0x47: {  	s26 =	sshra.s32 s25, $0x1F;
	p2 =	slt.s32 s25, $0x1;
	p5 =	sne.s32 s28, $0x0  }
0x48: {  	s2 =	simm.s32 $0x4;
	s31 =	sshrl.u32 s26, $0x19;
	p2 =	por !p2, !p5  }
0x49: {  	v7 =	vnsel vm1, $0x0, v5;
	s26 =	simm.s32 $0x1;
	s25 =	sadd.s32 s31, s25;
	p2 =	por !p2, !p2  }
0x4a: {  	(xrf0) =	vadd.scan.msk.s32 $0xffff, v7;
	p5 =	por $0x1, $0x1;
	s25 =	sshra.s32 s25, $0x7;
	s26 =	simm.s32 @!p2 $0x0  }
0x4b: {  	s28 =	ssub.s32 s25, s26  }
0x4c: {  	s29 =	spop (v2sf);
	p2 =	por $0x0, $0x0;
	v6 =	vmov s2;
	s2 =	simm.s32 $0x5  }
0x4d: {  	s30 =	sshll.u32 s28, $0x4;
	s31 =	sshra.s32 s29, $0x1F;
	s28 =	sshll.u32 s28, $0x7  }
0x4e: {  	s3 =	sand.u32 $0x7F, s29;
	p0 =	slt.s32 s29, $0x1;
	s30 =	sand.u32 $0x1FFFFFF0, s30  }
0x4f: {  	s28 =	sand.u32 $0x1FFFFF80, s28;
	p6 =	sne.s32 s3, $0x0;
	s30 =	sadd.s32 s1, s30  }
0x50: {  	vm1 =	veq.s32 v6, v0;
	[tilespmem:s24], [sflag:$0x3] =	stream.linear.gather [hbm4b:s30+s22], $0x80, $0x38;
	v6, _, _ =	vpop (xrf0);
	[tilespmem:$0x16180] =	vst v63  }
.Ltmp4:
0x51: {  	s16 =	sshrl.u32 s31, $0x19;
	s31 =	simm.s32 $0x1;
	(v2sf) =	vpush v6, $0xF;
	(pc) =	sbr.rel @p2 .LBB2_10-.Ltmp4, $4  }
0x52: {  	s17 =	sadd.s32 s0, s28;
	p0 =	por !p0, !p6;
	p6 =	por $0x1, $0x1  }
0x53: {  	[tilespmem:s23], [sflag:$0x1] =	stream.strided.gather [hbm4b:s17+s11], $0x1000, s12, s11, $0x38;
	[tilespmem:$0x16180] =	vst v63  }
0x54: {  	v7 =	vnsel vm1, $0x0, v5;
	s28 =	simm.s32 $0x100;
	p0 =	por !p0, !p0;
	s17 =	sadd.s32 s16, s29  }
0x55: {  	s31 =	simm.s32 @!p0 $0x0;
	(xrf0) =	vadd.scan.msk.s32 $0xffff, v7;
	s29 =	simm.s32 $0x12100;
	s30 =	sshra.s32 s17, $0x7  }
.LBB2_11:
0x56: {  	p2 =	seq.s32 s2, $0x7  }
0x57: {  	s3 =	ssub.s32 s30, s31;
	s28 =	sadd.s32 $0x1000, s28;
	s29 =	sadd.s32 $0x80, s29  }
0x58: {  	s30 =	spop (v2sf);
	s31 =	sshll.u32 s3, $0x4;
	s3 =	sshll.u32 s3, $0x7  }
0x59: {  	s16 =	sshra.s32 s30, $0x1F;
	s31 =	sand.u32 $0x1FFFFFF0, s31;
	s17 =	sand.u32 $0x7F, s30  }
0x5a: {  	s3 =	sand.u32 $0x1FFFFF80, s3;
	p0 =	slt.s32 s30, $0x1;
	s31 =	sadd.s32 s1, s31  }
0x5b: {  	[tilespmem:s29], [sflag:$0x3] =	stream.linear.gather [hbm4b:s31+s22], $0x80, $0x38;
	[tilespmem:$0x16180] =	vst v63  }
.Ltmp5:
0x5c: {  	p1 =	sne.s32 s17, $0x0;
	s3 =	sadd.s32 s0, s3;
	v6, _, _ =	vpop (xrf0);
	(pc) =	sbr.rel @!p2 .LBB2_11-.Ltmp5, $4  }
0x5d: {  	v7 =	vmov s2;
	(v2sf) =	vpush v6, $0xF;
	[tilespmem:s28], [sflag:$0x1] =	stream.strided.gather [hbm4b:s3+s11], $0x1000, s12, s11, $0x38;
	[tilespmem:$0x16180] =	vst v63  }
0x5e: {  	vm1 =	veq.s32 v7, v0;
	p0 =	por !p0, !p1;
	s3 =	sshrl.u32 s16, $0x19  }
0x5f: {  	s31 =	simm.s32 $0x1;
	p0 =	por !p0, !p0;
	v6 =	vnsel vm1, $0x0, v5;
	s3 =	sadd.s32 s3, s30  }
0x60: {  	s2 =	sadd.s32 $0x1, s2;
	s31 =	simm.s32 @!p0 $0x0;
	s30 =	sshra.s32 s3, $0x7;
	(xrf0) =	vadd.scan.msk.s32 $0xffff, v6  }
0x61: {  	_ = 	snop  }
.LBB2_13:
0x62: {  	s2 =	ssub.s32 @p5 s30, s31;
	s3 =	sadd.s32 @p6 $0x1000, s28  }
0x63: {  	s16 =	spop @p4 (v2sf);
	s28 =	sadd.s32 @p6 $0x80, s29;
	s17 =	sshll.u32 @p5 s2, $0x4  }
0x64: {  	s29 =	simm.s32 $0x12100;
	s2 =	sshll.u32 @p5 s2, $0x7;
	s17 =	sand.u32 @p5 $0x1FFFFFF0, s17  }
0x65: {  	s30 =	sand.u32 @p4 $0x7F, s16;
	s29 =	smov.u32 @p6 s28;
	s17 =	sadd.s32 @p5 s1, s17  }
0x66: {  	[tilespmem:s29], [sflag:$0x3] =	stream.linear.gather @p5 [hbm4b:s17+s22], $0x80, $0x38;
	[tilespmem:$0x16180] =	vst v63  }
0x67: {  	p0 =	slt.s32 @p4 s16, $0x1;
	s2 =	sand.u32 @p5 $0x1FFFFF80, s2;
	s17 =	simm.s32 $0x100  }
0x68: {  	p1 =	sne.s32 @p4 s30, $0x0;
	s2 =	sadd.s32 @p5 s0, s2;
	s17 =	smov.u32 @p6 s3  }
0x69: {  	[tilespmem:s17], [sflag:$0x1] =	stream.strided.gather @p5 [hbm4b:s2+s11], $0x1000, s12, s11, $0x38;
	[tilespmem:$0x16180] =	vst v63  }
0x6a: {  	p0 =	por @p4 !p0, !p1;
	s2 =	sshra.s32 @p4 s16, $0x1F  }
0x6b: {  	p0 =	por @p4 !p0, !p0;
	s2 =	sshrl.u32 @p4 s2, $0x19  }
0x6c: {  	v5, _, _ =	vpop (xrf0);
	p0 =	por !p0, !p4;
	s3 =	simm.s32 $0x1;
	s2 =	sadd.s32 @p4 s2, s16  }
0x6d: {  	(v2sf) =	vpush v5, $0xF;
	s3 =	simm.s32 @p0 $0x0;
	s2 =	sshra.s32 @p4 s2, $0x7  }
0x6e: {  	s26 =	smov.u32 @p4 s3;
	s25 =	smov.u32 @p4 s2  }
0x6f: {  	s3 =	sadd.s32 @p5 $0x1000, s17;
	s2 =	ssub.s32 @p4 s25, s26  }
0x70: {  	s16 =	spop @p3 (v2sf);
	s25 =	sadd.s32 @p5 $0x80, s29;
	s17 =	sshll.u32 @p4 s2, $0x4  }
0x71: {  	s26 =	simm.s32 $0x12100;
	s28 =	sand.u32 @p3 $0x7F, s16;
	s17 =	sand.u32 @p4 $0x1FFFFFF0, s17  }
0x72: {  	s2 =	sshll.u32 @p4 s2, $0x7;
	s26 =	smov.u32 @p5 s25;
	s17 =	sadd.s32 @p4 s1, s17  }
0x73: {  	[tilespmem:s26], [sflag:$0x3] =	stream.linear.gather @p4 [hbm4b:s17+s22], $0x80, $0x38;
	[tilespmem:$0x16180] =	vst v63  }
0x74: {  	p0 =	slt.s32 @p3 s16, $0x1;
	s2 =	sand.u32 @p4 $0x1FFFFF80, s2;
	s17 =	simm.s32 $0x100  }
0x75: {  	p1 =	sne.s32 @p3 s28, $0x0;
	s2 =	sadd.s32 @p4 s0, s2;
	s17 =	smov.u32 @p5 s3  }
0x76: {  	[tilespmem:s17], [sflag:$0x1] =	stream.strided.gather @p4 [hbm4b:s2+s11], $0x1000, s12, s11, $0x38;
	[tilespmem:$0x16180] =	vst v63  }
0x77: {  	p0 =	por @p3 !p0, !p1;
	s2 =	sshra.s32 @p3 s16, $0x1F  }
0x78: {  	p0 =	por @p3 !p0, !p0;
	s2 =	sshrl.u32 @p3 s2, $0x19  }
0x79: {  	p0 =	por !p0, !p3;
	s3 =	simm.s32 $0x1;
	s2 =	sadd.s32 @p3 s2, s16  }
0x7a: {  	s28 =	simm.s32 $0x12100;
	s3 =	simm.s32 @p0 $0x0;
	s2 =	sshra.s32 @p3 s2, $0x7  }
0x7b: {  	s25 =	sadd.s32 @p4 $0x80, s26;
	s3 =	smov.u32 @p3 s3;
	s2 =	smov.u32 @p3 s2  }
0x7c: {  	s28 =	smov.u32 @p4 s25;
	s16 =	spop (v2sf);
	s2 =	ssub.s32 @p3 s2, s3  }
0x7d: {  	s30 =	sshra.s32 s16, $0x1F;
	s3 =	sadd.s32 @p4 $0x1000, s17;
	s17 =	sshll.u32 @p3 s2, $0x4  }
0x7e: {  	s31 =	sand.u32 $0x7F, s16;
	p5 =	slt.s32 s16, $0x1;
	s17 =	sand.u32 @p3 $0x1FFFFFF0, s17  }
0x7f: {  	p6 =	sne.s32 s31, $0x0;
	s2 =	sshll.u32 @p3 s2, $0x7;
	s17 =	sadd.s32 @p3 s1, s17  }
0x80: {  	[tilespmem:s28], [sflag:$0x3] =	stream.linear.gather @p3 [hbm4b:s17+s22], $0x80, $0x38;
	[tilespmem:$0x16180] =	vst v63  }
0x81: {  	s30 =	sshrl.u32 s30, $0x19;
	s2 =	sand.u32 @p3 $0x1FFFFF80, s2;
	s17 =	simm.s32 $0x100  }
0x82: {  	p0 =	por !p5, !p6;
	s2 =	sadd.s32 @p3 s0, s2;
	s17 =	smov.u32 @p4 s3  }
0x83: {  	[tilespmem:s17], [sflag:$0x1] =	stream.strided.gather @p3 [hbm4b:s2+s11], $0x1000, s12, s11, $0x38;
	[tilespmem:$0x16180] =	vst v63  }
0x84: {  	p0 =	por !p0, !p0;
	s3 =	simm.s32 $0x1;
	s2 =	sadd.s32 s30, s16  }
0x85: {  	s3 =	simm.s32 @!p0 $0x0;
	s2 =	sshra.s32 s2, $0x7  }
0x86: {  	s2 =	ssub.s32 s2, s3  }
0x87: {  	s3 =	sadd.s32 @p3 $0x1000, s17;
	s31 =	sshll.u32 s2, $0x4  }
0x88: {  	s17 =	sadd.s32 @p3 $0x80, s28;
	s2 =	sshll.u32 s2, $0x7;
	s16 =	sand.u32 $0x1FFFFFF0, s31  }
0x89: {  	s24 =	smov.u32 @p3 s17;
	s2 =	sand.u32 $0x1FFFFF80, s2;
	s16 =	sadd.s32 s1, s16  }
0x8a: {  	[tilespmem:s24], [sflag:$0x3] =	stream.linear.gather [hbm4b:s16+s22], $0x80, $0x38;
	[tilespmem:$0x16180] =	vst v63  }
0x8b: {  	s23 =	smov.u32 @p3 s3;
	s2 =	sadd.s32 s0, s2  }
0x8c: {  	[tilespmem:s23], [sflag:$0x1] =	stream.strided.gather [hbm4b:s2+s11], $0x1000, s12, s11, $0x38;
	[tilespmem:$0x16180] =	vst v63  }
0x8d: {  	s23 =	simm.s32 $0x12500  }
.LBB2_14:
0x8e: {  	p0 =	seq.s32 s22, $0xF  }
.Ltmp6:
0x8f: {  	_ = 	snop;
	(pc) =	sbr.rel @p0 .LBB2_29-.Ltmp6, $2  }
0x90: {  	_ =	sdelay $0x2  }
0x91: {  	s24 =	sadd.s32 $0x1, s22  }
.Ltmp7:
0x92: {  	(pc) =	sbr.rel .LBB2_16-.Ltmp7, $4  }
0x93: {  	_ = 	snop  }
0x94: {  	s2 =	sand.u32 $0x1, s24;
	s3 =	sshll.u32 s24, $0x3  }
0x95: {  	s25 =	simm.s32 $0x0;
	p3 =	seq.s32 s2, $0x1;
	s2 =	sand.u32 $0x1, s22  }
0x96: {  	s26 =	simm.s32 $0x8100;
	s28 =	smov.u32 s23;
	v5 =	vld [tilespmem:s3+$0x0];
	p4 =	sne.s32 s2, $0x0  }
.LBB2_17:
0x97: {  	s29 =	sadd.s32 s0, s29  }
.LBB2_26:
0x98: {  	[tilespmem:s26], [sflag:$0x2] =	stream.strided.gather [hbm4b:s29+s11], $0x1000, s12, s11, $0x38;
	[tilespmem:$0x16180] =	vst v63  }
.LBB2_27:
0x99: {  	s25 =	sadd.s32 $0x1, s25  }
0x9a: {  	p0 =	sne.s32 s25, $0x8  }
.Ltmp8:
0x9b: {  	_ = 	snop;
	(pc) =	sbr.rel @!p0 .LBB2_28-.Ltmp8, $2  }
0x9c: {  	_ =	sdelay $0x2  }
0x9d: {  	s26 =	sadd.s32 $0x1000, s26;
	s28 =	sadd.s32 $0x80, s28  }
.LBB2_16:
0x9e: {  	_ =	sdelay $0x1  }
0x9f: {  	v6 =	vmov s25  }
0xa0: {  	vm1 =	veq.s32 v6, v0  }
0xa1: {  	v6 =	vnsel vm1, $0x0, v5  }
0xa2: {  	(xrf0) =	vadd.scan.msk.s32 $0xffff, v6;
	_ =	sdelay $0x5  }
0xa3: {  	v6, _, _ =	vpop (xrf0)  }
0xa4: {  	(v2sf) =	vpush v6, $0xF;
	_ =	sdelay $0xe  }
0xa5: {  	s3 =	spop (v2sf)  }
0xa6: {  	s16 =	sand.u32 $0x7F, s3  }
0xa7: {  	s31 =	sshra.s32 s3, $0x1F;
	p1 =	slt.s32 s3, $0x1;
	p0 =	sne.s32 s16, $0x0  }
0xa8: {  	s16 =	sshrl.u32 s31, $0x19;
	p0 =	por !p1, !p0  }
0xa9: {  	s3 =	sadd.s32 s16, s3;
	s16 =	simm.s32 $0x1;
	p0 =	por !p0, !p0  }
0xaa: {  	s3 =	sshra.s32 s3, $0x7;
	s16 =	simm.s32 @!p0 $0x0  }
.Ltmp9:
0xab: {  	s3 =	ssub.s32 s3, s16;
	(pc) =	sbr.rel @p3 .LBB2_17-.Ltmp9, $4  }
0xac: {  	s16 =	sshll.u32 s3, $0x4  }
0xad: {  	s3 =	sshll.u32 s3, $0x7;
	s16 =	sand.u32 $0x1FFFFFF0, s16  }
0xae: {  	s29 =	sand.u32 $0x1FFFFF80, s3;
	s16 =	sadd.s32 s1, s16  }
0xaf: {  	[tilespmem:s28], [sflag:$0x3] =	stream.linear.gather [hbm4b:s16+s4], $0x80, $0x38;
	[tilespmem:$0x16180] =	vst v63  }
.Ltmp10:
0xb0: {  	(pc) =	sbr.rel @p4 .LBB2_27-.Ltmp10, $4  }
.Ltmp11:
0xb1: {  	(pc) =	sbr.rel @!p4 .LBB2_26-.Ltmp11, $4  }
0xb2: {  	_ = 	snop  }
0xb3: {  	s3 =	sadd.s32 $0xFFFF8000, s26;
	s29 =	sadd.s32 s0, s29  }
0xb4: {  	[tilespmem:s3], [sflag:$0x1] =	stream.strided.gather [hbm4b:s29+s11], $0x1000, s12, s11, $0x38;
	[tilespmem:$0x16180] =	vst v63  }
0xb5: {  	_ = 	snop  }
.LBB2_28:
0xb6: {  	p0 =	seq.s32 s2, $0x0  }
.Ltmp12:
0xb7: {  	_ = 	snop;
	(pc) =	sbr.rel @p0 .LBB2_30-.Ltmp12, $2  }
0xb8: {  	_ =	sdelay $0x2  }
0xb9: {  	s2 =	simm.s32 $0x1  }
.LBB2_29:
0xba: {  	s2 =	simm.s32 $0x2  }
.LBB2_30:
0xbb: {  	_ =	swait.ge [sflag:s2], $0x1000  }
0xbc: {  	[sflag:s2] =	ssyncset.done $0x0  }
0xbd: {  	[sflag:s2] =	ssyncadd.s32 $0xFFFFF000  }
0xbe: {  	_ =	swait.ge [sflag:s2], $0x1000  }
0xbf: {  	[sflag:s2] =	ssyncset.done $0x0  }
0xc0: {  	[sflag:s2] =	ssyncadd.s32 $0xFFFFF000  }
0xc1: {  	_ =	swait.ge [sflag:s2], $0x1000  }
0xc2: {  	[sflag:s2] =	ssyncset.done $0x0  }
0xc3: {  	[sflag:s2] =	ssyncadd.s32 $0xFFFFF000  }
0xc4: {  	_ =	swait.ge [sflag:s2], $0x1000  }
0xc5: {  	[sflag:s2] =	ssyncset.done $0x0  }
0xc6: {  	[sflag:s2] =	ssyncadd.s32 $0xFFFFF000  }
0xc7: {  	_ =	swait.ge [sflag:s2], $0x1000  }
0xc8: {  	[sflag:s2] =	ssyncset.done $0x0  }
0xc9: {  	[sflag:s2] =	ssyncadd.s32 $0xFFFFF000  }
0xca: {  	_ =	swait.ge [sflag:s2], $0x1000  }
0xcb: {  	[sflag:s2] =	ssyncset.done $0x0  }
0xcc: {  	[sflag:s2] =	ssyncadd.s32 $0xFFFFF000  }
0xcd: {  	s3 =	sshll.u32 s22, $0x3;
	_ =	swait.ge [sflag:s2], $0x1000  }
0xce: {  	v5 =	vor.u32 s3, v1;
	[sflag:s2] =	ssyncset.done $0x0  }
0xcf: {  	[sflag:s2] =	ssyncadd.s32 $0xFFFFF000  }
0xd0: {  	_ =	swait.ge [sflag:s2], $0x1000  }
0xd1: {  	[sflag:s2] =	ssyncset.done $0x0  }
0xd2: {  	s25 =	simm.s32 $0x0;
	[sflag:s2] =	ssyncadd.s32 $0xFFFFF000  }
0xd3: {  	v5 =	vld.idx.msk [tilespmem:v5+s25+$0x0], $0xffff;
	_ =	sdelay $0x3  }
0xd4: {  	s26 =	sand.u32 $0x1, s22  }
0xd5: {  	v6 =	vmov s25;
	s2 =	sshll.u32 s26, $0xF;
	v5 =	vand.u32 $0x7F, v5  }
0xd6: {  	v7 =	vshll.u32 v6, $0x7;
	v5 =	vor.u32 s2, v5  }
0xd7: {  	v6 =	vor.u32 v2, v5;
	v5 =	vadd.s32 v3, v7  }
0xd8: {  	v7 =	vadd.s32 v6, v5;
	_ =	sdelay $0x2  }
0xd9: {  	s28 =	simm.s32 $0x1  }
0xda: {  	v8 =	vmov s28  }
0xdb: {  	v8 =	vshll.u32 v8, $0x7;
	v5 =	vmov s3;
	v7 =	vld.idx.msk [tilespmem:v7+s13+$0x0], $0xffff  }
0xdc: {  	v8 =	vadd.s32 v3, v8  }
0xdd: {  	v8 =	vadd.s32 v6, v8  }
0xde: {  	s29 =	sand.u32 $0x800, s25;
	s30 =	sand.u32 $0x380, s25  }
0xdf: {  	s2 =	sor.u32 s30, s29  }
0xe0: {  	s31 =	simm.s32 $0x2;
	[tilespmem:v5+s2+$0x10100 ss:$0x1] =	vst.idx.msk $0xff, v7  }
0xe1: {  	v9 =	vmov s31;
	[tilespmem:v5+s2+$0x11100 ss:$0x1] =	vst.idx.msk vm0, v7  }
0xe2: {  	s22 =	simm.s32 $0x3;
	s2 =	simm.s32 $0x0;
	v7 =	vld.idx.msk [tilespmem:v8+s13+$0x0], $0xffff;
	v8 =	vshll.u32 v9, $0x7  }
.LBB2_31:
0xe3: {  	p2 =	seq.s32 s22, $0xF;
	v8 =	vadd.s32 v3, v8  }
0xe4: {  	s25 =	sadd.s32 $0x80, s25;
	s2 =	sadd.s32 $0x100, s2;
	v8 =	vadd.s32 v6, v8  }
0xe5: {  	s3 =	sand.u32 $0x800, s2;
	s16 =	sand.u32 $0x380, s25  }
.Ltmp13:
0xe6: {  	s3 =	sor.u32 s16, s3;
	(pc) =	sbr.rel @!p2 .LBB2_31-.Ltmp13, $4  }
0xe7: {  	[tilespmem:v5+s3+$0x10100 ss:$0x1] =	vst.idx.msk $0xff, v7  }
0xe8: {  	[tilespmem:v5+s3+$0x11100 ss:$0x1] =	vst.idx.msk vm0, v7  }
0xe9: {  	v9 =	vmov s22;
	v7 =	vld.idx.msk [tilespmem:v8+s13+$0x0], $0xffff  }
0xea: {  	s22 =	sadd.s32 $0x1, s22;
	v8 =	vshll.u32 v9, $0x7  }
0xeb: {  	v8 =	vadd.s32 v3, v8  }
0xec: {  	s3 =	sadd.s32 $0x80, s25;
	s2 =	sadd.s32 $0x100, s2;
	v6 =	vadd.s32 v6, v8  }
0xed: {  	s16 =	sand.u32 $0x800, s2;
	s17 =	sand.u32 $0x380, s3  }
0xee: {  	s16 =	sor.u32 s17, s16  }
0xef: {  	[tilespmem:v5+s16+$0x10100 ss:$0x1] =	vst.idx.msk $0xff, v7  }
0xf0: {  	[tilespmem:v5+s16+$0x11100 ss:$0x1] =	vst.idx.msk vm0, v7  }
0xf1: {  	v6 =	vld.idx.msk [tilespmem:v6+s13+$0x0], $0xffff;
	_ =	sdelay $0x1  }
0xf2: {  	s3 =	sadd.s32 $0x80, s3;
	s2 =	sadd.s32 $0x100, s2  }
0xf3: {  	s2 =	sand.u32 $0x800, s2;
	s3 =	sand.u32 $0x380, s3  }
0xf4: {  	s2 =	sor.u32 s3, s2  }
0xf5: {  	[tilespmem:v5+s2+$0x10100 ss:$0x1] =	vst.idx.msk $0xff, v6  }
0xf6: {  	[tilespmem:v5+s2+$0x11100 ss:$0x1] =	vst.idx.msk vm0, v6  }
0xf7: {  	p0 =	seq.s32 s24, $0x10  }
.Ltmp14:
0xf8: {  	_ = 	snop;
	(pc) =	sbr.rel @!p0 .LBB2_14-.Ltmp14, $2  }
0xf9: {  	_ =	sdelay $0x2  }
0xfa: {  	s23 =	sadd.s32 $0x400, s23;
	s22 =	smov.u32 s24  }
0xfb: {  	s2 =	simm.s32 $0x80  }
.LBB2_20:
0xfc: {  	p0 =	sne.s32 s2, $0x1  }
.Ltmp15:
0xfd: {  	_ = 	snop;
	(pc) =	sbr.rel @p0 .LBB2_20-.Ltmp15, $4  }
0xfe: {  	_ = 	snop  }
0xff: {  	_ =	swait.ge [sflag:s14], $0x80  }
0x100: {  	[sflag:s14] =	ssyncset.done $0x0  }
0x101: {  	s2 =	sadd.s32 $0xFFFFFFFF, s2;
	[sflag:s14] =	ssyncadd.s32 $0xFFFFFF80  }
0x102: {  	s2 =	simm.s32 $0x0  }
0x103: {  	v5 =	vld [tilespmem:s2+$0x0];
	_ =	sdelay $0x2  }
0x104: {  	v6 =	vmov s2  }
0x105: {  	v6 =	vshll.u32 v6, $0x7  }
0x106: {  	v6 =	vor.u32 v4, v6;
	v5 =	vand.u32 $0x7F, v5  }
0x107: {  	v5 =	vor.u32 v6, v5;
	_ =	sdelay $0x4  }
0x108: {  	v5 =	vld.idx.msk [tilespmem:v5+s15+$0x0], $0xffff;
	_ =	sdelay $0x3  }
0x109: {  	s2 =	simm.s32 $0x16100  }
0x10a: {  	s22 =	simm.s32 $0x10;
	[tilespmem:s2+$0x0] =	vst v5  }
0x10b: {  	s23 =	simm.s32 $0x20;
	s24 =	simm.s32 $0x10;
	v5 =	vld [tilespmem:s22+$0x0]  }
.LBB2_22:
0x10c: {  	p2 =	sne.s32 s23, $0x70;
	_ =	sdelay $0x1  }
0x10d: {  	v6 =	vmov s22;
	s22 =	smov.u32 s23  }
0x10e: {  	v6 =	vshll.u32 v6, $0x7  }
0x10f: {  	v6 =	vor.u32 v4, v6;
	v5 =	vand.u32 $0x7F, v5  }
0x110: {  	v5 =	vor.u32 v6, v5;
	_ =	sdelay $0x4  }
0x111: {  	v5 =	vld.idx.msk [tilespmem:v5+s15+$0x0], $0xffff;
	_ =	sdelay $0x2  }
.Ltmp16:
0x112: {  	(pc) =	sbr.rel @p2 .LBB2_22-.Ltmp16, $4  }
0x113: {  	_ = 	snop  }
0x114: {  	s2 =	sadd.s32 $0x10, s2  }
0x115: {  	s24 =	sadd.s32 $0x10, s24;
	[tilespmem:s2+$0x0] =	vst v5  }
0x116: {  	s23 =	sadd.s32 $0x10, s23;
	v5 =	vld [tilespmem:s24+$0x0]  }
0x117: {  	_ =	sdelay $0x1  }
0x118: {  	v6 =	vmov s22  }
0x119: {  	v6 =	vshll.u32 v6, $0x7  }
0x11a: {  	v6 =	vor.u32 v4, v6;
	v5 =	vand.u32 $0x7F, v5  }
0x11b: {  	v5 =	vor.u32 v6, v5;
	_ =	sdelay $0x4  }
0x11c: {  	v5 =	vld.idx.msk [tilespmem:v5+s15+$0x0], $0xffff;
	_ =	sdelay $0x3  }
0x11d: {  	s2 =	sadd.s32 $0x10, s2  }
0x11e: {  	s28 =	simm.s32 $0x10100;
	[tilespmem:s2+$0x0] =	vst v5  }
0x11f: {  	[hbm4b:s6+s4] =	stream.linear.scatter [tilespmem:s28], [sflag:$0x4], $0x400, $0x38;
	[tilespmem:$0x16180] =	vst v63  }
0x120: {  	s29 =	sadd.s32 $0x1000, s6;
	s3 =	simm.s32 $0x10900  }
0x121: {  	[hbm4b:s29+s4] =	stream.linear.scatter [tilespmem:s3], [sflag:$0x4], $0x400, $0x38;
	[tilespmem:$0x16180] =	vst v63  }
0x122: {  	s30 =	sadd.s32 $0x2000, s6  }
0x123: {  	[hbm4b:s30+s4] =	stream.linear.scatter [tilespmem:s18], [sflag:$0x4], $0x400, $0x38;
	[tilespmem:$0x16180] =	vst v63  }
0x124: {  	s31 =	sadd.s32 $0x3000, s6  }
0x125: {  	[hbm4b:s31+s4] =	stream.linear.scatter [tilespmem:s19], [sflag:$0x4], $0x400, $0x38;
	[tilespmem:$0x16180] =	vst v63  }
0x126: {  	_ =	swait.ge [sflag:s10], $0x1000  }
0x127: {  	s21 =	sadd.s32 $0x1, s21;
	[sflag:s10] =	ssyncset.done $0x0  }
0x128: {  	p0 =	sne.s32 s21, s8;
	[sflag:s10] =	ssyncadd.s32 $0xFFFFF000  }
0x129: {  	[hbm4b:s7+s4] =	stream.linear.scatter [tilespmem:s20], [sflag:$0x4], $0x80, $0x38;
	[tilespmem:$0x16180] =	vst v63  }
.Ltmp17:
0x12a: {  	_ = 	snop;
	(pc) =	sbr.rel @p0 .LBB2_1-.Ltmp17, $4  }
.Ltmp18:
0x12b: {  	_ = 	snop;
	(pc) =	sbr.rel @!p0 .LBB2_24-.Ltmp18, $4  }
0x12c: {  	_ =	swait.ge [sflag:s10], $0x80  }
0x12d: {  	[sflag:s10] =	ssyncset.done $0x0  }
0x12e: {  	[sflag:s10] =	ssyncadd.s32 $0xFFFFFF80  }
0x12f: {  	_ = 	snop  }
.LBB2_2:
.Ltmp19:
0x130: {  	(pc) =	sbr.rel .LBB2_13-.Ltmp19, $2  }
0x131: {  	_ =	sdelay $0x2  }
0x132: {  	s28 =	simm.s32 $0x100;
	s29 =	simm.s32 $0x12100  }
.LBB2_4:
.Ltmp20:
0x133: {  	(pc) =	sbr.rel .LBB2_13-.Ltmp20, $2  }
0x134: {  	_ =	sdelay $0x2  }
0x135: {  	s28 =	simm.s32 $0x100;
	s29 =	simm.s32 $0x12100  }
.LBB2_6:
.Ltmp21:
0x136: {  	(pc) =	sbr.rel .LBB2_13-.Ltmp21, $2  }
0x137: {  	_ =	sdelay $0x3  }
0x138: {  	s28 =	simm.s32 $0x100;
	s29 =	simm.s32 $0x12100  }
.LBB2_8:
.Ltmp22:
0x139: {  	(pc) =	sbr.rel .LBB2_13-.Ltmp22, $3  }
0x13a: {  	_ =	sdelay $0x1  }
0x13b: {  	s30 =	smov.u32 s25  }
0x13c: {  	s31 =	smov.u32 s26;
	s28 =	simm.s32 $0x100;
	s29 =	simm.s32 $0x12100  }
.LBB2_10:
.Ltmp23:
0x13d: {  	(pc) =	sbr.rel .LBB2_13-.Ltmp23, $2  }
0x13e: {  	_ =	sdelay $0x2  }
0x13f: {  	s28 =	simm.s32 $0x100;
	s29 =	simm.s32 $0x12100  }
.LBB2_24:
0x140: {  	_ =	sfence.sel $0x180000  }
0x141: {  	[bflag:$0x0] =	sbarrier.arrive $0xFFFF  }
0x142: {  	_ =	strace $0x90000047  }
0x143: {  	s0 =	stileid.u32;
	[bflag:$0x2] =	sbarrier.arrive $0xFFFF  }
0x144: {  	p0 =	sne.s32 s0, $0x0;
	s0 =	rddreg [dreg:$0x8]  }
0x145: {  	s0 =	sadd.s32 @!p0 $0x100000, s0  }
0x146: {  	[sflag:s0] =	ssyncadd.tile.s32 @!p0 $0x1;
	_ =	shalt  }
.Lfunc_end2:
_tile_overlayer_lowered:
.L_overlay_start_2:
0x147: {  	(tag) =	ssettag $0x2  }
0x148: {  	s0 =	rddreg [dreg:$0x0];
	s2 =	stileid.u32  }
0x149: {  	s1 =	rddreg [dreg:$0x1];
	p0 =	sne.s32 s2, $0x0  }
0x14a: {  	s3 =	rddreg [dreg:$0x2];
	[bflag:$0x3] =	sbarrier.arrive $0xFFFF;
	s2 =	simm.s32 @!p0 $0x1C04  }
0x14b: {  	[timem:s3], [sflag:s2] =	dma.local @!p0 [hbm:s0], s1  }
0x14c: {  	s0 =	simm.s32 @!p0 $0x4  }
0x14d: {  	_ =	swait.ge @!p0 [sflag:s0], s1  }
0x14e: {  	s1 =	ssub.s32 @!p0 $0x0, s1;
	[sflag:s0] =	ssyncset.done @!p0 $0x0  }
0x14f: {  	[sflag:s0] =	ssyncadd.s32 @!p0 s1  }
0x150: {  	[bflag:$0x3] =	sbarrier.arrive $0xFFFF  }
0x151: {  	_ =	shalt  }

</sc_bundles>
